<compile_context>
chip_gen: v7x
topology: tpu7x:2x2x1
jax: 0.10.2.dev20260603
libtpu: 0.0.44.dev20260713+nightly
codegen_flags: <defaults>
</compile_context>

<pallas_src>
import dataclasses
import functools

import jax
import jax.numpy as jnp
from jax import lax
from jax.experimental import pallas as pl
from jax.experimental.pallas import tpu as pltpu
from jax.experimental.pallas import tpu_sc as plsc

N = 10000
E = 320000
D = 128
NC, NS = 2, 16
NW = NC * NS
NP = 10240
EP = NW * 10240
CH = 128
RA = 80
ZPT = NP // NS
SEG = 40
WRT = 1000

_mesh = plsc.VectorSubcoreMesh(core_axis_name="c", subcore_axis_name="s")
_f32 = jnp.float32


def _sds(shape, dtype=_f32):
    return jax.ShapeDtypeStruct(shape, dtype)


@functools.partial(
    pl.kernel,
    out_type=[_sds((NP,)), _sds((NP,))],
    mesh=_mesh,
    scratch_types=[
        pltpu.VMEM((2 * RA, CH), jnp.int32),
        pltpu.VMEM((CH,), _f32),
        pltpu.VMEM((ZPT,), _f32),
        pltpu.VMEM_SHARED((NP,), _f32),
    ],
)
def _deg_kernel(ed_hbm, d0_hbm, d1_hbm, idx_v, ones_v, z_v, deg_sh):
    c = lax.axis_index("c")
    s = lax.axis_index("s")
    wid = c * NS + s
    pltpu.sync_copy(ed_hbm.at[pl.ds(wid * 2 * RA, 2 * RA)], idx_v)

    @pl.loop(0, CH, step=16)
    def _(i):
        ones_v[pl.ds(i, 16)] = jnp.ones((16,), _f32)

    @pl.loop(0, ZPT, step=16)
    def _(i):
        z_v[pl.ds(i, 16)] = jnp.zeros((16,), _f32)

    pltpu.sync_copy(z_v, deg_sh.at[pl.ds(s * ZPT, ZPT)])
    plsc.subcore_barrier()

    @pl.loop(0, RA)
    def _(j):
        pltpu.sync_copy(ones_v, deg_sh.at[idx_v.at[2 * j + 1]], add=True)

    plsc.subcore_barrier()

    @pl.when((s == 0) & (c == 0))
    def _():
        pltpu.sync_copy(deg_sh, d0_hbm)

    @pl.when((s == 0) & (c == 1))
    def _():
        pltpu.sync_copy(deg_sh, d1_hbm)


@functools.partial(
    pl.kernel,
    out_type=[_sds((N, D)), _sds((N, D))],
    mesh=_mesh,
    scratch_types=[
        pltpu.VMEM((2 * SEG, CH), jnp.int32),
        pltpu.VMEM((CH, D), _f32),
        pltpu.VMEM((CH, D), _f32),
        pltpu.VMEM_SHARED((NP, D), _f32),
        pltpu.SemaphoreType.DMA,
        pltpu.SemaphoreType.DMA,
    ],
)
def _agg_kernel(p_hbm, ed_hbm, a0_hbm, a1_hbm, ei_v, rows0_v, rows1_v,
                acc_sh, sem0, sem1):
    c = lax.axis_index("c")
    s = lax.axis_index("s")
    wid = c * NS + s

    @pl.loop(0, CH)
    def _(r):
        @pl.loop(0, D, step=16)
        def _(k):
            rows0_v[r, pl.ds(k, 16)] = jnp.zeros((16,), _f32)

    for k in range(ZPT // CH):
        pltpu.sync_copy(rows0_v, acc_sh.at[pl.ds(s * ZPT + k * CH, CH)])

    plsc.subcore_barrier()

    @pl.loop(0, RA // SEG)
    def _(g):
        pltpu.sync_copy(ed_hbm.at[pl.ds(wid * 2 * RA + g * 2 * SEG, 2 * SEG)],
                        ei_v)
        pltpu.make_async_copy(p_hbm.at[ei_v.at[0]], rows0_v, sem0).start()

        @pl.loop(0, SEG // 2)
        def _(tt):
            t0 = 2 * tt
            pltpu.make_async_copy(p_hbm.at[ei_v.at[2 * t0]], rows0_v,
                                  sem0).wait()
            pltpu.make_async_copy(p_hbm.at[ei_v.at[2 * t0 + 2]], rows1_v,
                                  sem1).start()
            pltpu.sync_copy(rows0_v, acc_sh.at[ei_v.at[2 * t0 + 1]], add=True)
            pltpu.make_async_copy(p_hbm.at[ei_v.at[2 * t0 + 2]], rows1_v,
                                  sem1).wait()

            @pl.when(t0 + 2 < SEG)
            def _():
                pltpu.make_async_copy(p_hbm.at[ei_v.at[2 * t0 + 4]], rows0_v,
                                      sem0).start()

            pltpu.sync_copy(rows1_v, acc_sh.at[ei_v.at[2 * t0 + 3]], add=True)

    plsc.subcore_barrier()

    @pl.when((s < 10) & (c == 0))
    def _():
        pltpu.sync_copy(acc_sh.at[pl.ds(s * WRT, WRT)],
                        a0_hbm.at[pl.ds(s * WRT, WRT)])

    @pl.when((s < 10) & (c == 1))
    def _():
        pltpu.sync_copy(acc_sh.at[pl.ds(s * WRT, WRT)],
                        a1_hbm.at[pl.ds(s * WRT, WRT)])


_cp = pltpu.CompilerParams()
if "needs_layout_passes" in pltpu.CompilerParams.__dataclass_fields__:
    _cp = dataclasses.replace(_cp, needs_layout_passes=False)


UF = 2 * NP


@functools.partial(
    pl.kernel,
    out_type=_sds((NW * 2 * RA, CH)),
    compiler_params=_cp,
    mesh=_mesh,
    scratch_types=[
        pltpu.VMEM((UF,), _f32),
        pltpu.VMEM((2 * RA, CH), jnp.int32),
        pltpu.VMEM((2 * RA, CH), _f32),
    ],
)
def _score_kernel(u_hbm, ed_hbm, out_hbm, u_v, ei_v, o_v):
    c = lax.axis_index("c")
    s = lax.axis_index("s")
    wid = c * NS + s
    pltpu.sync_copy(u_hbm, u_v)
    pltpu.sync_copy(ed_hbm.at[pl.ds(wid * 2 * RA, 2 * RA)], ei_v)

    @pl.loop(0, RA)
    def _(r):
        @pl.loop(0, CH, step=16)
        def _(i):
            sv = ei_v[2 * r, pl.ds(i, 16)]
            dv = ei_v[2 * r + 1, pl.ds(i, 16)]
            a = plsc.load_gather(u_v, [sv * 2])
            b = plsc.load_gather(u_v, [dv * 2 + 1])
            z = a + b
            o_v[2 * r, pl.ds(i, 16)] = 1.0 / (1.0 + jnp.exp(-z))

    pltpu.sync_copy(o_v, out_hbm.at[pl.ds(wid * 2 * RA, 2 * RA)])


_BR = 2000


def _mm1_body(d0_ref, d1_ref, x_ref, w_ref, p_ref, dinv_ref):
    deg = d0_ref[...] + d1_ref[...] + 1.0
    dinv = lax.rsqrt(deg)
    h = jnp.dot(x_ref[...], w_ref[...], preferred_element_type=_f32)
    p_ref[...] = h * dinv
    dinv_ref[...] = dinv


_mm1 = pl.pallas_call(
    _mm1_body,
    grid=(N // _BR,),
    in_specs=[
        pl.BlockSpec((_BR, 1), lambda i: (i, 0)),
        pl.BlockSpec((_BR, 1), lambda i: (i, 0)),
        pl.BlockSpec((_BR, D), lambda i: (i, 0)),
        pl.BlockSpec((D, D), lambda i: (0, 0)),
    ],
    out_specs=[
        pl.BlockSpec((_BR, D), lambda i: (i, 0)),
        pl.BlockSpec((_BR, 1), lambda i: (i, 0)),
    ],
    out_shape=[_sds((N, D)), _sds((N, 1))],
)


def _mid_body(a0_ref, a1_ref, p_ref, dinv_ref, b_ref, w_ref, out_ref):
    dinv = dinv_ref[...]
    z = dinv * (a0_ref[...] + a1_ref[...] + p_ref[...]) + b_ref[...]
    h = jnp.maximum(z, 0.0)
    out_ref[...] = jnp.dot(h, w_ref[...], preferred_element_type=_f32) * dinv


_mid = pl.pallas_call(
    _mid_body,
    grid=(N // _BR,),
    in_specs=[
        pl.BlockSpec((_BR, D), lambda i: (i, 0)),
        pl.BlockSpec((_BR, D), lambda i: (i, 0)),
        pl.BlockSpec((_BR, D), lambda i: (i, 0)),
        pl.BlockSpec((_BR, 1), lambda i: (i, 0)),
        pl.BlockSpec((1, D), lambda i: (0, 0)),
        pl.BlockSpec((D, D), lambda i: (0, 0)),
    ],
    out_specs=pl.BlockSpec((_BR, D), lambda i: (i, 0)),
    out_shape=_sds((N, D)),
)


def _fin_body(a0_ref, a1_ref, p_ref, dinv_ref, b_ref, wp_ref, br_ref, u_ref):
    dinv = dinv_ref[...]
    z = dinv * (a0_ref[...] + a1_ref[...] + p_ref[...]) + b_ref[...]
    h = jnp.maximum(z, 0.0)
    u_ref[...] = jnp.dot(h, wp_ref[...], preferred_element_type=_f32) + br_ref[...]


_fin = pl.pallas_call(
    _fin_body,
    grid=(N // _BR,),
    in_specs=[
        pl.BlockSpec((_BR, D), lambda i: (i, 0)),
        pl.BlockSpec((_BR, D), lambda i: (i, 0)),
        pl.BlockSpec((_BR, D), lambda i: (i, 0)),
        pl.BlockSpec((_BR, 1), lambda i: (i, 0)),
        pl.BlockSpec((1, D), lambda i: (0, 0)),
        pl.BlockSpec((D, 2), lambda i: (0, 0)),
        pl.BlockSpec((1, 2), lambda i: (0, 0)),
    ],
    out_specs=pl.BlockSpec((_BR, 2), lambda i: (i, 0)),
    out_shape=_sds((N, 2)),
)


@jax.jit
def kernel(x, edge_index, W1, b1, W2, b2, Wc, bc):
    src = edge_index[0].astype(jnp.int32)
    dst = edge_index[1].astype(jnp.int32)
    pad_i = jnp.arange(EP - E, dtype=jnp.int32)
    srcp = jnp.concatenate([src, (pad_i * 37) % N])
    dstp = jnp.concatenate([dst, N + (pad_i % (NP - N))])
    src_a = srcp.reshape(NW, RA, 1, CH)
    dst_a = dstp.reshape(NW, RA, 1, CH)
    ed_a = jnp.concatenate([src_a, dst_a], axis=2).reshape(NW * 2 * RA, CH)

    d0, d1 = _deg_kernel(ed_a)
    p1, dinv = _mm1(d0[:, None], d1[:, None], x, W1)
    a0, a1 = _agg_kernel(p1, ed_a)
    p2 = _mid(a0, a1, p1, dinv, b1.reshape(1, D), W2)
    c0, c1 = _agg_kernel(p2, ed_a)
    wpair = jnp.stack([Wc[:D, 0], Wc[D:, 0]], axis=1)
    brow = jnp.concatenate([bc, jnp.zeros((1,), _f32)]).reshape(1, 2)
    u = _fin(c0, c1, p2, dinv, b2.reshape(1, D), wpair, brow)
    u_flat = jnp.pad(u.reshape(2 * N), (0, UF - 2 * N))
    scored = _score_kernel(u_flat, ed_a)
    logits = scored.reshape(NW * RA, 2, CH)[:, 0, :]
    return logits.reshape(EP)[:E].reshape(E, 1)

# --- scband reference (transcript-rebuilt; emitter-appended) ---
"""Pipeline reference for scband-gnn-3255585210493 (READ-ONLY COPY).

The authoritative reference and input builder live on the scoring server;
editing this copy changes nothing except your own understanding.
"""

import jax, jax.numpy as jnp
import numpy as np

N_NODES = 10000
N_EDGES = 320000
D_IN = 128
D_HID = 128
D_OUT = 128


def setup_inputs(seed: int = 0) -> dict:
    key = jax.random.key(seed)
    k1, k2, k3, k4, k5, k6, k7, k8 = jax.random.split(key, 8)
    x = jax.random.normal(k1, (N_NODES, D_IN), dtype=jnp.float32)
    edge_index = jax.random.randint(k2, (2, N_EDGES), 0, N_NODES, dtype=jnp.int64)
    s1 = 1.0 / np.sqrt(D_IN)
    s2 = 1.0 / np.sqrt(D_HID)
    s3 = 1.0 / np.sqrt(D_OUT * 2)
    W1 = jax.random.uniform(k3, (D_IN, D_HID), jnp.float32, -s1, s1)
    b1 = jnp.zeros((D_HID,), jnp.float32)
    W2 = jax.random.uniform(k4, (D_HID, D_OUT), jnp.float32, -s2, s2)
    b2 = jnp.zeros((D_OUT,), jnp.float32)
    Wc = jax.random.uniform(k5, (D_OUT * 2, 1), jnp.float32, -s3, s3)
    bc = jax.random.uniform(k6, (1,), jnp.float32, -s3, s3)
    return {"x": x, "edge_index": edge_index, "W1": W1, "b1": b1, "W2": W2, "b2": b2, "Wc": Wc, "bc": bc}


def _gcn_conv(x, src, dst, W, b, n_nodes):
    # add self-loops (PyG GCNConv default)
    loop = jnp.arange(n_nodes, dtype=src.dtype)
    s = jnp.concatenate([src, loop])
    d = jnp.concatenate([dst, loop])
    h = x @ W
    deg = jnp.zeros((n_nodes,), jnp.float32).at[d].add(1.0)
    dinv = jnp.where(deg > 0, jax.lax.rsqrt(deg), 0.0)
    norm = dinv[s] * dinv[d]
    msg = h[s] * norm[:, None]
    out = jnp.zeros_like(h).at[d].add(msg)
    return out + b


def reference(x, edge_index, W1, b1, W2, b2, Wc, bc):
    src = edge_index[0]
    dst = edge_index[1]
    h = _gcn_conv(x, src, dst, W1, b1, N_NODES)
    h = jax.nn.relu(h)
    h = _gcn_conv(h, src, dst, W2, b2, N_NODES)
    h = jax.nn.relu(h)
    edge_emb = jnp.concatenate([h[src], h[dst]], axis=1)
    logits = edge_emb @ Wc + bc
    return jax.nn.sigmoid(logits)

if __name__ == "__main__":
    import jax
    _d = setup_inputs()
    print(jax.jit(kernel)(*tuple(_d.values())))

</pallas_src>

<mosaic_0001>
#map = affine_map<(d0, d1) -> (0, 0)>
#map1 = affine_map<(d0, d1) -> (0)>
module attributes {stable_mosaic.version = 14 : i64} {
  func.func @_deg_kernel(%arg0: i32, %arg1: i32, %arg2: memref<5120x128xi32, #tpu.memory_space<hbm>>, %arg3: memref<10240xf32, #tpu.memory_space<hbm>>, %arg4: memref<10240xf32, #tpu.memory_space<hbm>>, %arg5: memref<160x128xi32, #tpu.memory_space<vmem>>, %arg6: memref<128xf32, #tpu.memory_space<vmem>>, %arg7: memref<640xf32, #tpu.memory_space<vmem>>, %arg8: memref<10240xf32, #tpu.memory_space<vmem_shared>>) attributes {dimension_semantics = [#tpu.dimension_semantics<core_parallel>, #tpu.dimension_semantics<subcore_parallel>], iteration_bounds = array<i64: 2, 16>, scalar_prefetch = 0 : i64, scratch_operands = 4 : i64, tpu.core_type = #tpu.core_type<sc_vector_subcore>, window_params = [{transform_indices = #map}, {transform_indices = #map1}, {transform_indices = #map1}]} {
    %mul3A = arith.constant 16 : i32
    %mul3A_0 = arith.muli %arg0, %mul3A : i32
    %add3A = arith.addi %mul3A_0, %arg1 : i32
    %mul3A_1 = arith.constant 2 : i32
    %mul3A_2 = arith.muli %add3A, %mul3A_1 : i32
    %mul3A_3 = arith.constant 80 : i32
    %mul3A_4 = arith.muli %mul3A_2, %mul3A_3 : i32
    "tpu.region"() ({
      %run_scoped3A = tpu.sem_alloc : memref<!tpu.dma_semaphore, #tpu.memory_space<semaphore_mem>>
      %dma_start3A = arith.constant 0 : i32
      %dma_start3A_34 = tpu.memref_slice %arg2[%mul3A_4, %dma_start3A] : memref<5120x128xi32, #tpu.memory_space<hbm>> -> memref<160x128xi32, #tpu.memory_space<hbm>>
      %dma_start3A_35 = arith.constant 0 : i32
      %dma_start3A_36 = tpu.memref_slice %arg2[%mul3A_4, %dma_start3A_35] : memref<5120x128xi32, #tpu.memory_space<hbm>> -> memref<160x128xi32, #tpu.memory_space<hbm>>
      tpu.enqueue_dma source(%dma_start3A_36 : memref<160x128xi32, #tpu.memory_space<hbm>>) target(%arg5 : memref<160x128xi32, #tpu.memory_space<vmem>>) target_semaphore(%run_scoped3A : memref<!tpu.dma_semaphore, #tpu.memory_space<semaphore_mem>>)
      %dma_wait3A = arith.constant 0 : i32
      %dma_wait3A_37 = tpu.memref_slice %arg2[%mul3A_4, %dma_wait3A] : memref<5120x128xi32, #tpu.memory_space<hbm>> -> memref<160x128xi32, #tpu.memory_space<hbm>>
      %dma_wait3A_38 = arith.constant 0 : i32
      %dma_wait3A_39 = tpu.memref_slice %arg2[%mul3A_4, %dma_wait3A_38] : memref<5120x128xi32, #tpu.memory_space<hbm>> -> memref<160x128xi32, #tpu.memory_space<hbm>>
      tpu.wait_dma2 semaphore(%run_scoped3A : memref<!tpu.dma_semaphore, #tpu.memory_space<semaphore_mem>>) src(%dma_wait3A_39 : memref<160x128xi32, #tpu.memory_space<hbm>>) dst(%arg5 : memref<160x128xi32, #tpu.memory_space<vmem>>)
      tpu.yield
    }) : () -> ()
    %scan3A = arith.constant 0 : i32
    %scan3A_5 = arith.constant 8 : i32
    %scan3A_6 = arith.addi %scan3A, %scan3A_5 : i32
    %scan3A_7 = arith.constant 1 : i32
    scf.for %scan3A_34 = %scan3A to %scan3A_6 step %scan3A_7  : i32 {
      %mul3A_35 = arith.constant 16 : i32
      %mul3A_36 = arith.muli %scan3A_34, %mul3A_35 : i32
      %add3A_37 = arith.constant 0 : i32
      %add3A_38 = arith.addi %add3A_37, %mul3A_36 : i32
      %broadcast_in_dim3A = arith.constant 1.000000e+00 : f32
      %broadcast_in_dim3A_39 = vector.broadcast %broadcast_in_dim3A : f32 to vector<16xf32>
      %swap3A = arith.index_cast %add3A_38 : i32 to index
      %swap3A_40 = tpu.vector_load %arg6[%swap3A] {strides = array<i32>} : memref<128xf32, #tpu.memory_space<vmem>>, vector<16xf32>,
      %swap3A_41 = vector.shape_cast %swap3A_40 : vector<16xf32> to vector<16xf32>
      %swap3A_42 = vector.shape_cast %broadcast_in_dim3A_39 : vector<16xf32> to vector<16xf32>
      tpu.vector_store %arg6[%swap3A], %swap3A_42 {strides = array<i32>} : memref<128xf32, #tpu.memory_space<vmem>>, vector<16xf32>,
    }
    %scan3A_8 = arith.constant 8 : i32
    %scan3A_9 = arith.constant 0 : i32
    %scan3A_10 = arith.constant 40 : i32
    %scan3A_11 = arith.addi %scan3A_9, %scan3A_10 : i32
    %scan3A_12 = arith.constant 1 : i32
    scf.for %scan3A_34 = %scan3A_9 to %scan3A_11 step %scan3A_12  : i32 {
      %mul3A_35 = arith.constant 16 : i32
      %mul3A_36 = arith.muli %scan3A_34, %mul3A_35 : i32
      %add3A_37 = arith.constant 0 : i32
      %add3A_38 = arith.addi %add3A_37, %mul3A_36 : i32
      %broadcast_in_dim3A = arith.constant 0.000000e+00 : f32
      %broadcast_in_dim3A_39 = vector.broadcast %broadcast_in_dim3A : f32 to vector<16xf32>
      %swap3A = arith.index_cast %add3A_38 : i32 to index
      %swap3A_40 = tpu.vector_load %arg7[%swap3A] {strides = array<i32>} : memref<640xf32, #tpu.memory_space<vmem>>, vector<16xf32>,
      %swap3A_41 = vector.shape_cast %swap3A_40 : vector<16xf32> to vector<16xf32>
      %swap3A_42 = vector.shape_cast %broadcast_in_dim3A_39 : vector<16xf32> to vector<16xf32>
      tpu.vector_store %arg7[%swap3A], %swap3A_42 {strides = array<i32>} : memref<640xf32, #tpu.memory_space<vmem>>, vector<16xf32>,
    }
    %scan3A_13 = arith.constant 40 : i32
    %mul3A_14 = arith.constant 640 : i32
    %mul3A_15 = arith.muli %arg1, %mul3A_14 : i32
    "tpu.region"() ({
      %run_scoped3A = tpu.sem_alloc : memref<!tpu.dma_semaphore, #tpu.memory_space<semaphore_mem>>
      %dma_start3A = tpu.memref_slice %arg8[%mul3A_15] : memref<10240xf32, #tpu.memory_space<vmem_shared>> -> memref<640xf32, #tpu.memory_space<vmem_shared>>
      %dma_start3A_34 = tpu.memref_slice %arg8[%mul3A_15] : memref<10240xf32, #tpu.memory_space<vmem_shared>> -> memref<640xf32, #tpu.memory_space<vmem_shared>>
      tpu.enqueue_dma source(%arg7 : memref<640xf32, #tpu.memory_space<vmem>>) target(%dma_start3A_34 : memref<640xf32, #tpu.memory_space<vmem_shared>>) target_semaphore(%run_scoped3A : memref<!tpu.dma_semaphore, #tpu.memory_space<semaphore_mem>>)
      %dma_wait3A = tpu.memref_slice %arg8[%mul3A_15] : memref<10240xf32, #tpu.memory_space<vmem_shared>> -> memref<640xf32, #tpu.memory_space<vmem_shared>>
      %dma_wait3A_35 = tpu.memref_slice %arg8[%mul3A_15] : memref<10240xf32, #tpu.memory_space<vmem_shared>> -> memref<640xf32, #tpu.memory_space<vmem_shared>>
      tpu.wait_dma2 semaphore(%run_scoped3A : memref<!tpu.dma_semaphore, #tpu.memory_space<semaphore_mem>>) src(%arg7 : memref<640xf32, #tpu.memory_space<vmem>>) dst(%dma_wait3A_35 : memref<640xf32, #tpu.memory_space<vmem_shared>>)
      tpu.yield
    }) : () -> ()
    %barrier3A = arith.constant 0 : index
    tpu.barrier barrier_id(%barrier3A)
    %scan3A_16 = arith.constant 0 : i32
    %scan3A_17 = arith.constant 80 : i32
    %scan3A_18 = arith.addi %scan3A_16, %scan3A_17 : i32
    %scan3A_19 = arith.constant 1 : i32
    scf.for %scan3A_34 = %scan3A_16 to %scan3A_18 step %scan3A_19  : i32 {
      %mul3A_35 = arith.constant 1 : i32
      %mul3A_36 = arith.muli %scan3A_34, %mul3A_35 : i32
      %add3A_37 = arith.constant 0 : i32
      %add3A_38 = arith.addi %add3A_37, %mul3A_36 : i32
      %mul3A_39 = arith.constant 2 : i32
      %mul3A_40 = arith.muli %mul3A_39, %add3A_38 : i32
      %add3A_41 = arith.constant 1 : i32
      %add3A_42 = arith.addi %mul3A_40, %add3A_41 : i32
      "tpu.region"() ({
        %run_scoped3A = tpu.sem_alloc : memref<!tpu.dma_semaphore, #tpu.memory_space<semaphore_mem>>
        %dma_start3A = arith.constant 0 : i32
        %dma_start3A_43 = tpu.memref_slice %arg5[%add3A_42, %dma_start3A] : memref<160x128xi32, #tpu.memory_space<vmem>> -> memref<1x128xi32, #tpu.memory_space<vmem>>
        %dma_start3A_44 = tpu.memref_squeeze %dma_start3A_43 : memref<1x128xi32, #tpu.memory_space<vmem>> -> memref<128xi32, #tpu.memory_space<vmem>>
        %dma_start3A_45 = arith.constant 0 : i32
        %dma_start3A_46 = tpu.memref_slice %arg8[%dma_start3A_45] : memref<10240xf32, #tpu.memory_space<vmem_shared>> -> memref<10240xf32, #tpu.memory_space<vmem_shared>>
        tpu.enqueue_indirect_dma source(%arg6 : memref<128xf32, #tpu.memory_space<vmem>>) target(%dma_start3A_46 : memref<10240xf32, #tpu.memory_space<vmem_shared>>) offsets(%dma_start3A_44 : memref<128xi32, #tpu.memory_space<vmem>>) semaphore(%run_scoped3A : memref<!tpu.dma_semaphore, #tpu.memory_space<semaphore_mem>>) {add = true}
        %dma_wait3A = arith.constant 0 : i32
        %dma_wait3A_47 = tpu.memref_slice %arg5[%add3A_42, %dma_wait3A] : memref<160x128xi32, #tpu.memory_space<vmem>> -> memref<1x128xi32, #tpu.memory_space<vmem>>
        %dma_wait3A_48 = tpu.memref_squeeze %dma_wait3A_47 : memref<1x128xi32, #tpu.memory_space<vmem>> -> memref<128xi32, #tpu.memory_space<vmem>>
        %dma_wait3A_49 = arith.constant 0 : i32
        %dma_wait3A_50 = tpu.memref_slice %arg8[%dma_wait3A_49] : memref<10240xf32, #tpu.memory_space<vmem_shared>> -> memref<10240xf32, #tpu.memory_space<vmem_shared>>
        tpu.wait_indirect_dma semaphore(%run_scoped3A : memref<!tpu.dma_semaphore, #tpu.memory_space<semaphore_mem>>) src(%arg6 : memref<128xf32, #tpu.memory_space<vmem>>) dst(%dma_wait3A_50 : memref<10240xf32, #tpu.memory_space<vmem_shared>>)
        tpu.yield
      }) : () -> ()
    }
    %scan3A_20 = arith.constant 80 : i32
    %barrier3A_21 = arith.constant 0 : index
    tpu.barrier barrier_id(%barrier3A_21)
    %eq3A = arith.constant 0 : i32
    %eq3A_22 = arith.cmpi eq, %arg1, %eq3A : i32
    %eq3A_23 = arith.constant 0 : i32
    %eq3A_24 = arith.cmpi eq, %arg0, %eq3A_23 : i32
    %and3A = arith.andi %eq3A_22, %eq3A_24 : i1
    %convert_element_type3A = arith.extui %and3A : i1 to i32
    %cond3A = arith.constant 0 : i32
    %cond3A_25 = arith.cmpi ne, %convert_element_type3A, %cond3A : i32
    scf.if %cond3A_25 {
      "tpu.region"() ({
        %run_scoped3A = tpu.sem_alloc : memref<!tpu.dma_semaphore, #tpu.memory_space<semaphore_mem>>
        tpu.enqueue_dma source(%arg8 : memref<10240xf32, #tpu.memory_space<vmem_shared>>) target(%arg3 : memref<10240xf32, #tpu.memory_space<hbm>>) target_semaphore(%run_scoped3A : memref<!tpu.dma_semaphore, #tpu.memory_space<semaphore_mem>>)
        tpu.wait_dma2 semaphore(%run_scoped3A : memref<!tpu.dma_semaphore, #tpu.memory_space<semaphore_mem>>) src(%arg8 : memref<10240xf32, #tpu.memory_space<vmem_shared>>) dst(%arg3 : memref<10240xf32, #tpu.memory_space<hbm>>)
        tpu.yield
      }) : () -> ()
    } else {
    }
    %eq3A_26 = arith.constant 0 : i32
    %eq3A_27 = arith.cmpi eq, %arg1, %eq3A_26 : i32
    %eq3A_28 = arith.constant 1 : i32
    %eq3A_29 = arith.cmpi eq, %arg0, %eq3A_28 : i32
    %and3A_30 = arith.andi %eq3A_27, %eq3A_29 : i1
    %convert_element_type3A_31 = arith.extui %and3A_30 : i1 to i32
    %cond3A_32 = arith.constant 0 : i32
    %cond3A_33 = arith.cmpi ne, %convert_element_type3A_31, %cond3A_32 : i32
    scf.if %cond3A_33 {
      "tpu.region"() ({
        %run_scoped3A = tpu.sem_alloc : memref<!tpu.dma_semaphore, #tpu.memory_space<semaphore_mem>>
        tpu.enqueue_dma source(%arg8 : memref<10240xf32, #tpu.memory_space<vmem_shared>>) target(%arg4 : memref<10240xf32, #tpu.memory_space<hbm>>) target_semaphore(%run_scoped3A : memref<!tpu.dma_semaphore, #tpu.memory_space<semaphore_mem>>)
        tpu.wait_dma2 semaphore(%run_scoped3A : memref<!tpu.dma_semaphore, #tpu.memory_space<semaphore_mem>>) src(%arg8 : memref<10240xf32, #tpu.memory_space<vmem_shared>>) dst(%arg4 : memref<10240xf32, #tpu.memory_space<hbm>>)
        tpu.yield
      }) : () -> ()
    } else {
    }
    return
  }
}

#map = affine_map<(d0, d1) -> (0)>
#map1 = affine_map<(d0, d1) -> (0, 0)>
module attributes {stable_mosaic.version = 14 : i64} {
  func.func @_score_kernel(%arg0: i32, %arg1: i32, %arg2: memref<20480xf32, #tpu.memory_space<hbm>>, %arg3: memref<5120x128xi32, #tpu.memory_space<hbm>>, %arg4: memref<5120x128xf32, #tpu.memory_space<hbm>>, %arg5: memref<20480xf32, #tpu.memory_space<vmem>>, %arg6: memref<160x128xi32, #tpu.memory_space<vmem>>, %arg7: memref<160x128xf32, #tpu.memory_space<vmem>>) attributes {dimension_semantics = [#tpu.dimension_semantics<core_parallel>, #tpu.dimension_semantics<subcore_parallel>], iteration_bounds = array<i64: 2, 16>, scalar_prefetch = 0 : i64, scratch_operands = 3 : i64, tpu.core_type = #tpu.core_type<sc_vector_subcore>, window_params = [{transform_indices = #map}, {transform_indices = #map1}, {transform_indices = #map1}]} {
    %mul3A = arith.constant 16 : i32
    %mul3A_0 = arith.muli %arg0, %mul3A : i32
    %add3A = arith.addi %mul3A_0, %arg1 : i32
    "tpu.region"() ({
      %run_scoped3A = tpu.sem_alloc : memref<!tpu.dma_semaphore, #tpu.memory_space<semaphore_mem>>
      tpu.enqueue_dma source(%arg2 : memref<20480xf32, #tpu.memory_space<hbm>>) target(%arg5 : memref<20480xf32, #tpu.memory_space<vmem>>) target_semaphore(%run_scoped3A : memref<!tpu.dma_semaphore, #tpu.memory_space<semaphore_mem>>)
      tpu.wait_dma2 semaphore(%run_scoped3A : memref<!tpu.dma_semaphore, #tpu.memory_space<semaphore_mem>>) src(%arg2 : memref<20480xf32, #tpu.memory_space<hbm>>) dst(%arg5 : memref<20480xf32, #tpu.memory_space<vmem>>)
      tpu.yield
    }) : () -> ()
    %mul3A_1 = arith.constant 2 : i32
    %mul3A_2 = arith.muli %add3A, %mul3A_1 : i32
    %mul3A_3 = arith.constant 80 : i32
    %mul3A_4 = arith.muli %mul3A_2, %mul3A_3 : i32
    "tpu.region"() ({
      %run_scoped3A = tpu.sem_alloc : memref<!tpu.dma_semaphore, #tpu.memory_space<semaphore_mem>>
      %dma_start3A = arith.constant 0 : i32
      %dma_start3A_13 = tpu.memref_slice %arg3[%mul3A_4, %dma_start3A] : memref<5120x128xi32, #tpu.memory_space<hbm>> -> memref<160x128xi32, #tpu.memory_space<hbm>>
      %dma_start3A_14 = arith.constant 0 : i32
      %dma_start3A_15 = tpu.memref_slice %arg3[%mul3A_4, %dma_start3A_14] : memref<5120x128xi32, #tpu.memory_space<hbm>> -> memref<160x128xi32, #tpu.memory_space<hbm>>
      tpu.enqueue_dma source(%dma_start3A_15 : memref<160x128xi32, #tpu.memory_space<hbm>>) target(%arg6 : memref<160x128xi32, #tpu.memory_space<vmem>>) target_semaphore(%run_scoped3A : memref<!tpu.dma_semaphore, #tpu.memory_space<semaphore_mem>>)
      %dma_wait3A = arith.constant 0 : i32
      %dma_wait3A_16 = tpu.memref_slice %arg3[%mul3A_4, %dma_wait3A] : memref<5120x128xi32, #tpu.memory_space<hbm>> -> memref<160x128xi32, #tpu.memory_space<hbm>>
      %dma_wait3A_17 = arith.constant 0 : i32
      %dma_wait3A_18 = tpu.memref_slice %arg3[%mul3A_4, %dma_wait3A_17] : memref<5120x128xi32, #tpu.memory_space<hbm>> -> memref<160x128xi32, #tpu.memory_space<hbm>>
      tpu.wait_dma2 semaphore(%run_scoped3A : memref<!tpu.dma_semaphore, #tpu.memory_space<semaphore_mem>>) src(%dma_wait3A_18 : memref<160x128xi32, #tpu.memory_space<hbm>>) dst(%arg6 : memref<160x128xi32, #tpu.memory_space<vmem>>)
      tpu.yield
    }) : () -> ()
    %scan3A = arith.constant 0 : i32
    %scan3A_5 = arith.constant 80 : i32
    %scan3A_6 = arith.addi %scan3A, %scan3A_5 : i32
    %scan3A_7 = arith.constant 1 : i32
    scf.for %scan3A_13 = %scan3A to %scan3A_6 step %scan3A_7  : i32 {
      %mul3A_14 = arith.constant 1 : i32
      %mul3A_15 = arith.muli %scan3A_13, %mul3A_14 : i32
      %add3A_16 = arith.constant 0 : i32
      %add3A_17 = arith.addi %add3A_16, %mul3A_15 : i32
      %scan3A_18 = arith.constant 0 : i32
      %scan3A_19 = arith.constant 8 : i32
      %scan3A_20 = arith.addi %scan3A_18, %scan3A_19 : i32
      %scan3A_21 = arith.constant 1 : i32
      scf.for %scan3A_23 = %scan3A_18 to %scan3A_20 step %scan3A_21  : i32 {
        %mul3A_24 = arith.constant 16 : i32
        %mul3A_25 = arith.muli %scan3A_23, %mul3A_24 : i32
        %add3A_26 = arith.constant 0 : i32
        %add3A_27 = arith.addi %add3A_26, %mul3A_25 : i32
        %mul3A_28 = arith.constant 2 : i32
        %mul3A_29 = arith.muli %mul3A_28, %add3A_17 : i32
        %get3A = arith.index_cast %mul3A_29 : i32 to index
        %get3A_30 = arith.index_cast %add3A_27 : i32 to index
        %get3A_31 = tpu.vector_load %arg6[%get3A, %get3A_30] {strides = array<i32>} : memref<160x128xi32, #tpu.memory_space<vmem>>, vector<16xi32>,
        %mul3A_32 = arith.constant 2 : i32
        %mul3A_33 = arith.muli %mul3A_32, %add3A_17 : i32
        %add3A_34 = arith.constant 1 : i32
        %add3A_35 = arith.addi %mul3A_33, %add3A_34 : i32
        %get3A_36 = arith.index_cast %add3A_35 : i32 to index
        %get3A_37 = arith.index_cast %add3A_27 : i32 to index
        %get3A_38 = tpu.vector_load %arg6[%get3A_36, %get3A_37] {strides = array<i32>} : memref<160x128xi32, #tpu.memory_space<vmem>>, vector<16xi32>,
        %mul3A_39 = arith.constant 2 : i32
        %mul3A_40 = vector.broadcast %mul3A_39 : i32 to vector<16xi32>
        %mul3A_41 = arith.muli %get3A_31, %mul3A_40 : vector<16xi32>
        %gather3A = tpu.vector_load_idx %arg5[%mul3A_41] : memref<20480xf32, #tpu.memory_space<vmem>>[vector<16xi32>], vector<16xf32>,
        %mul3A_42 = arith.constant 2 : i32
        %mul3A_43 = vector.broadcast %mul3A_42 : i32 to vector<16xi32>
        %mul3A_44 = arith.muli %get3A_38, %mul3A_43 : vector<16xi32>
        %add3A_45 = arith.constant 1 : i32
        %add3A_46 = vector.broadcast %add3A_45 : i32 to vector<16xi32>
        %add3A_47 = arith.addi %mul3A_44, %add3A_46 : vector<16xi32>
        %gather3A_48 = tpu.vector_load_idx %arg5[%add3A_47] : memref<20480xf32, #tpu.memory_space<vmem>>[vector<16xi32>], vector<16xf32>,
        %add3A_49 = arith.addf %gather3A, %gather3A_48 : vector<16xf32>
        %neg3A = arith.constant 0.000000e+00 : f32
        %neg3A_50 = vector.broadcast %neg3A : f32 to vector<16xf32>
        %neg3A_51 = arith.subf %neg3A_50, %add3A_49 : vector<16xf32>
        %exp3A = math.exp %neg3A_51 : vector<16xf32>
        %add3A_52 = arith.constant 1.000000e+00 : f32
        %add3A_53 = vector.broadcast %add3A_52 : f32 to vector<16xf32>
        %add3A_54 = arith.addf %add3A_53, %exp3A : vector<16xf32>
        %div3A = arith.constant 1.000000e+00 : f32
        %div3A_55 = vector.broadcast %div3A : f32 to vector<16xf32>
        %div3A_56 = arith.divf %div3A_55, %add3A_54 : vector<16xf32>
        %mul3A_57 = arith.constant 2 : i32
        %mul3A_58 = arith.muli %mul3A_57, %add3A_17 : i32
        %swap3A = arith.index_cast %mul3A_58 : i32 to index
        %swap3A_59 = arith.index_cast %add3A_27 : i32 to index
        %swap3A_60 = tpu.vector_load %arg7[%swap3A, %swap3A_59] {strides = array<i32>} : memref<160x128xf32, #tpu.memory_space<vmem>>, vector<16xf32>,
        tpu.vector_store %arg7[%swap3A, %swap3A_59], %div3A_56 {strides = array<i32>} : memref<160x128xf32, #tpu.memory_space<vmem>>, vector<16xf32>,
      }
      %scan3A_22 = arith.constant 8 : i32
    }
    %scan3A_8 = arith.constant 80 : i32
    %mul3A_9 = arith.constant 2 : i32
    %mul3A_10 = arith.muli %add3A, %mul3A_9 : i32
    %mul3A_11 = arith.constant 80 : i32
    %mul3A_12 = arith.muli %mul3A_10, %mul3A_11 : i32
    "tpu.region"() ({
      %run_scoped3A = tpu.sem_alloc : memref<!tpu.dma_semaphore, #tpu.memory_space<semaphore_mem>>
      %dma_start3A = arith.constant 0 : i32
      %dma_start3A_13 = tpu.memref_slice %arg4[%mul3A_12, %dma_start3A] : memref<5120x128xf32, #tpu.memory_space<hbm>> -> memref<160x128xf32, #tpu.memory_space<hbm>>
      %dma_start3A_14 = arith.constant 0 : i32
      %dma_start3A_15 = tpu.memref_slice %arg4[%mul3A_12, %dma_start3A_14] : memref<5120x128xf32, #tpu.memory_space<hbm>> -> memref<160x128xf32, #tpu.memory_space<hbm>>
      tpu.enqueue_dma source(%arg7 : memref<160x128xf32, #tpu.memory_space<vmem>>) target(%dma_start3A_15 : memref<160x128xf32, #tpu.memory_space<hbm>>) target_semaphore(%run_scoped3A : memref<!tpu.dma_semaphore, #tpu.memory_space<semaphore_mem>>)
      %dma_wait3A = arith.constant 0 : i32
      %dma_wait3A_16 = tpu.memref_slice %arg4[%mul3A_12, %dma_wait3A] : memref<5120x128xf32, #tpu.memory_space<hbm>> -> memref<160x128xf32, #tpu.memory_space<hbm>>
      %dma_wait3A_17 = arith.constant 0 : i32
      %dma_wait3A_18 = tpu.memref_slice %arg4[%mul3A_12, %dma_wait3A_17] : memref<5120x128xf32, #tpu.memory_space<hbm>> -> memref<160x128xf32, #tpu.memory_space<hbm>>
      tpu.wait_dma2 semaphore(%run_scoped3A : memref<!tpu.dma_semaphore, #tpu.memory_space<semaphore_mem>>) src(%arg7 : memref<160x128xf32, #tpu.memory_space<vmem>>) dst(%dma_wait3A_18 : memref<160x128xf32, #tpu.memory_space<hbm>>)
      tpu.yield
    }) : () -> ()
    return
  }
}

#map = affine_map<(d0, d1) -> (0, 0)>
module attributes {stable_mosaic.version = 14 : i64} {
  func.func @_agg_kernel(%arg0: i32, %arg1: i32, %arg2: memref<10000x128xf32, #tpu.memory_space<hbm>>, %arg3: memref<5120x128xi32, #tpu.memory_space<hbm>>, %arg4: memref<10000x128xf32, #tpu.memory_space<hbm>>, %arg5: memref<10000x128xf32, #tpu.memory_space<hbm>>, %arg6: memref<80x128xi32, #tpu.memory_space<vmem>>, %arg7: memref<128x128xf32, #tpu.memory_space<vmem>>, %arg8: memref<128x128xf32, #tpu.memory_space<vmem>>, %arg9: memref<10240x128xf32, #tpu.memory_space<vmem_shared>>, %arg10: memref<!tpu.dma_semaphore, #tpu.memory_space<semaphore_mem>>, %arg11: memref<!tpu.dma_semaphore, #tpu.memory_space<semaphore_mem>>) attributes {dimension_semantics = [#tpu.dimension_semantics<core_parallel>, #tpu.dimension_semantics<subcore_parallel>], iteration_bounds = array<i64: 2, 16>, scalar_prefetch = 0 : i64, scratch_operands = 6 : i64, tpu.core_type = #tpu.core_type<sc_vector_subcore>, window_params = [{transform_indices = #map}, {transform_indices = #map}, {transform_indices = #map}, {transform_indices = #map}]} {
    %mul3A = arith.constant 16 : i32
    %mul3A_0 = arith.muli %arg0, %mul3A : i32
    %add3A = arith.addi %mul3A_0, %arg1 : i32
    %scan3A = arith.constant 0 : i32
    %scan3A_1 = arith.constant 128 : i32
    %scan3A_2 = arith.addi %scan3A, %scan3A_1 : i32
    %scan3A_3 = arith.constant 1 : i32
    scf.for %scan3A_42 = %scan3A to %scan3A_2 step %scan3A_3  : i32 {
      %mul3A_43 = arith.constant 1 : i32
      %mul3A_44 = arith.muli %scan3A_42, %mul3A_43 : i32
      %add3A_45 = arith.constant 0 : i32
      %add3A_46 = arith.addi %add3A_45, %mul3A_44 : i32
      %scan3A_47 = arith.constant 0 : i32
      %scan3A_48 = arith.constant 8 : i32
      %scan3A_49 = arith.addi %scan3A_47, %scan3A_48 : i32
      %scan3A_50 = arith.constant 1 : i32
      scf.for %scan3A_52 = %scan3A_47 to %scan3A_49 step %scan3A_50  : i32 {
        %mul3A_53 = arith.constant 16 : i32
        %mul3A_54 = arith.muli %scan3A_52, %mul3A_53 : i32
        %add3A_55 = arith.constant 0 : i32
        %add3A_56 = arith.addi %add3A_55, %mul3A_54 : i32
        %broadcast_in_dim3A = arith.constant 0.000000e+00 : f32
        %broadcast_in_dim3A_57 = vector.broadcast %broadcast_in_dim3A : f32 to vector<16xf32>
        %swap3A = arith.index_cast %add3A_46 : i32 to index
        %swap3A_58 = arith.index_cast %add3A_56 : i32 to index
        %swap3A_59 = tpu.vector_load %arg7[%swap3A, %swap3A_58] {strides = array<i32>} : memref<128x128xf32, #tpu.memory_space<vmem>>, vector<1x16xf32>,
        %swap3A_60 = vector.shape_cast %swap3A_59 : vector<1x16xf32> to vector<16xf32>
        %swap3A_61 = vector.shape_cast %broadcast_in_dim3A_57 : vector<16xf32> to vector<1x16xf32>
        tpu.vector_store %arg7[%swap3A, %swap3A_58], %swap3A_61 {strides = array<i32>} : memref<128x128xf32, #tpu.memory_space<vmem>>, vector<1x16xf32>,
      }
      %scan3A_51 = arith.constant 8 : i32
    }
    %scan3A_4 = arith.constant 128 : i32
    %mul3A_5 = arith.constant 640 : i32
    %mul3A_6 = arith.muli %arg1, %mul3A_5 : i32
    %add3A_7 = arith.constant 0 : i32
    %add3A_8 = arith.addi %mul3A_6, %add3A_7 : i32
    "tpu.region"() ({
      %run_scoped3A = tpu.sem_alloc : memref<!tpu.dma_semaphore, #tpu.memory_space<semaphore_mem>>
      %dma_start3A = arith.constant 0 : i32
      %dma_start3A_42 = tpu.memref_slice %arg9[%add3A_8, %dma_start3A] : memref<10240x128xf32, #tpu.memory_space<vmem_shared>> -> memref<128x128xf32, #tpu.memory_space<vmem_shared>>
      %dma_start3A_43 = arith.constant 0 : i32
      %dma_start3A_44 = tpu.memref_slice %arg9[%add3A_8, %dma_start3A_43] : memref<10240x128xf32, #tpu.memory_space<vmem_shared>> -> memref<128x128xf32, #tpu.memory_space<vmem_shared>>
      tpu.enqueue_dma source(%arg7 : memref<128x128xf32, #tpu.memory_space<vmem>>) target(%dma_start3A_44 : memref<128x128xf32, #tpu.memory_space<vmem_shared>>) target_semaphore(%run_scoped3A : memref<!tpu.dma_semaphore, #tpu.memory_space<semaphore_mem>>)
      %dma_wait3A = arith.constant 0 : i32
      %dma_wait3A_45 = tpu.memref_slice %arg9[%add3A_8, %dma_wait3A] : memref<10240x128xf32, #tpu.memory_space<vmem_shared>> -> memref<128x128xf32, #tpu.memory_space<vmem_shared>>
      %dma_wait3A_46 = arith.constant 0 : i32
      %dma_wait3A_47 = tpu.memref_slice %arg9[%add3A_8, %dma_wait3A_46] : memref<10240x128xf32, #tpu.memory_space<vmem_shared>> -> memref<128x128xf32, #tpu.memory_space<vmem_shared>>
      tpu.wait_dma2 semaphore(%run_scoped3A : memref<!tpu.dma_semaphore, #tpu.memory_space<semaphore_mem>>) src(%arg7 : memref<128x128xf32, #tpu.memory_space<vmem>>) dst(%dma_wait3A_47 : memref<128x128xf32, #tpu.memory_space<vmem_shared>>)
      tpu.yield
    }) : () -> ()
    %mul3A_9 = arith.constant 640 : i32
    %mul3A_10 = arith.muli %arg1, %mul3A_9 : i32
    %add3A_11 = arith.constant 128 : i32
    %add3A_12 = arith.addi %mul3A_10, %add3A_11 : i32
    "tpu.region"() ({
      %run_scoped3A = tpu.sem_alloc : memref<!tpu.dma_semaphore, #tpu.memory_space<semaphore_mem>>
      %dma_start3A = arith.constant 0 : i32
      %dma_start3A_42 = tpu.memref_slice %arg9[%add3A_12, %dma_start3A] : memref<10240x128xf32, #tpu.memory_space<vmem_shared>> -> memref<128x128xf32, #tpu.memory_space<vmem_shared>>
      %dma_start3A_43 = arith.constant 0 : i32
      %dma_start3A_44 = tpu.memref_slice %arg9[%add3A_12, %dma_start3A_43] : memref<10240x128xf32, #tpu.memory_space<vmem_shared>> -> memref<128x128xf32, #tpu.memory_space<vmem_shared>>
      tpu.enqueue_dma source(%arg7 : memref<128x128xf32, #tpu.memory_space<vmem>>) target(%dma_start3A_44 : memref<128x128xf32, #tpu.memory_space<vmem_shared>>) target_semaphore(%run_scoped3A : memref<!tpu.dma_semaphore, #tpu.memory_space<semaphore_mem>>)
      %dma_wait3A = arith.constant 0 : i32
      %dma_wait3A_45 = tpu.memref_slice %arg9[%add3A_12, %dma_wait3A] : memref<10240x128xf32, #tpu.memory_space<vmem_shared>> -> memref<128x128xf32, #tpu.memory_space<vmem_shared>>
      %dma_wait3A_46 = arith.constant 0 : i32
      %dma_wait3A_47 = tpu.memref_slice %arg9[%add3A_12, %dma_wait3A_46] : memref<10240x128xf32, #tpu.memory_space<vmem_shared>> -> memref<128x128xf32, #tpu.memory_space<vmem_shared>>
      tpu.wait_dma2 semaphore(%run_scoped3A : memref<!tpu.dma_semaphore, #tpu.memory_space<semaphore_mem>>) src(%arg7 : memref<128x128xf32, #tpu.memory_space<vmem>>) dst(%dma_wait3A_47 : memref<128x128xf32, #tpu.memory_space<vmem_shared>>)
      tpu.yield
    }) : () -> ()
    %mul3A_13 = arith.constant 640 : i32
    %mul3A_14 = arith.muli %arg1, %mul3A_13 : i32
    %add3A_15 = arith.constant 256 : i32
    %add3A_16 = arith.addi %mul3A_14, %add3A_15 : i32
    "tpu.region"() ({
      %run_scoped3A = tpu.sem_alloc : memref<!tpu.dma_semaphore, #tpu.memory_space<semaphore_mem>>
      %dma_start3A = arith.constant 0 : i32
      %dma_start3A_42 = tpu.memref_slice %arg9[%add3A_16, %dma_start3A] : memref<10240x128xf32, #tpu.memory_space<vmem_shared>> -> memref<128x128xf32, #tpu.memory_space<vmem_shared>>
      %dma_start3A_43 = arith.constant 0 : i32
      %dma_start3A_44 = tpu.memref_slice %arg9[%add3A_16, %dma_start3A_43] : memref<10240x128xf32, #tpu.memory_space<vmem_shared>> -> memref<128x128xf32, #tpu.memory_space<vmem_shared>>
      tpu.enqueue_dma source(%arg7 : memref<128x128xf32, #tpu.memory_space<vmem>>) target(%dma_start3A_44 : memref<128x128xf32, #tpu.memory_space<vmem_shared>>) target_semaphore(%run_scoped3A : memref<!tpu.dma_semaphore, #tpu.memory_space<semaphore_mem>>)
      %dma_wait3A = arith.constant 0 : i32
      %dma_wait3A_45 = tpu.memref_slice %arg9[%add3A_16, %dma_wait3A] : memref<10240x128xf32, #tpu.memory_space<vmem_shared>> -> memref<128x128xf32, #tpu.memory_space<vmem_shared>>
      %dma_wait3A_46 = arith.constant 0 : i32
      %dma_wait3A_47 = tpu.memref_slice %arg9[%add3A_16, %dma_wait3A_46] : memref<10240x128xf32, #tpu.memory_space<vmem_shared>> -> memref<128x128xf32, #tpu.memory_space<vmem_shared>>
      tpu.wait_dma2 semaphore(%run_scoped3A : memref<!tpu.dma_semaphore, #tpu.memory_space<semaphore_mem>>) src(%arg7 : memref<128x128xf32, #tpu.memory_space<vmem>>) dst(%dma_wait3A_47 : memref<128x128xf32, #tpu.memory_space<vmem_shared>>)
      tpu.yield
    }) : () -> ()
    %mul3A_17 = arith.constant 640 : i32
    %mul3A_18 = arith.muli %arg1, %mul3A_17 : i32
    %add3A_19 = arith.constant 384 : i32
    %add3A_20 = arith.addi %mul3A_18, %add3A_19 : i32
    "tpu.region"() ({
      %run_scoped3A = tpu.sem_alloc : memref<!tpu.dma_semaphore, #tpu.memory_space<semaphore_mem>>
      %dma_start3A = arith.constant 0 : i32
      %dma_start3A_42 = tpu.memref_slice %arg9[%add3A_20, %dma_start3A] : memref<10240x128xf32, #tpu.memory_space<vmem_shared>> -> memref<128x128xf32, #tpu.memory_space<vmem_shared>>
      %dma_start3A_43 = arith.constant 0 : i32
      %dma_start3A_44 = tpu.memref_slice %arg9[%add3A_20, %dma_start3A_43] : memref<10240x128xf32, #tpu.memory_space<vmem_shared>> -> memref<128x128xf32, #tpu.memory_space<vmem_shared>>
      tpu.enqueue_dma source(%arg7 : memref<128x128xf32, #tpu.memory_space<vmem>>) target(%dma_start3A_44 : memref<128x128xf32, #tpu.memory_space<vmem_shared>>) target_semaphore(%run_scoped3A : memref<!tpu.dma_semaphore, #tpu.memory_space<semaphore_mem>>)
      %dma_wait3A = arith.constant 0 : i32
      %dma_wait3A_45 = tpu.memref_slice %arg9[%add3A_20, %dma_wait3A] : memref<10240x128xf32, #tpu.memory_space<vmem_shared>> -> memref<128x128xf32, #tpu.memory_space<vmem_shared>>
      %dma_wait3A_46 = arith.constant 0 : i32
      %dma_wait3A_47 = tpu.memref_slice %arg9[%add3A_20, %dma_wait3A_46] : memref<10240x128xf32, #tpu.memory_space<vmem_shared>> -> memref<128x128xf32, #tpu.memory_space<vmem_shared>>
      tpu.wait_dma2 semaphore(%run_scoped3A : memref<!tpu.dma_semaphore, #tpu.memory_space<semaphore_mem>>) src(%arg7 : memref<128x128xf32, #tpu.memory_space<vmem>>) dst(%dma_wait3A_47 : memref<128x128xf32, #tpu.memory_space<vmem_shared>>)
      tpu.yield
    }) : () -> ()
    %mul3A_21 = arith.constant 640 : i32
    %mul3A_22 = arith.muli %arg1, %mul3A_21 : i32
    %add3A_23 = arith.constant 512 : i32
    %add3A_24 = arith.addi %mul3A_22, %add3A_23 : i32
    "tpu.region"() ({
      %run_scoped3A = tpu.sem_alloc : memref<!tpu.dma_semaphore, #tpu.memory_space<semaphore_mem>>
      %dma_start3A = arith.constant 0 : i32
      %dma_start3A_42 = tpu.memref_slice %arg9[%add3A_24, %dma_start3A] : memref<10240x128xf32, #tpu.memory_space<vmem_shared>> -> memref<128x128xf32, #tpu.memory_space<vmem_shared>>
      %dma_start3A_43 = arith.constant 0 : i32
      %dma_start3A_44 = tpu.memref_slice %arg9[%add3A_24, %dma_start3A_43] : memref<10240x128xf32, #tpu.memory_space<vmem_shared>> -> memref<128x128xf32, #tpu.memory_space<vmem_shared>>
      tpu.enqueue_dma source(%arg7 : memref<128x128xf32, #tpu.memory_space<vmem>>) target(%dma_start3A_44 : memref<128x128xf32, #tpu.memory_space<vmem_shared>>) target_semaphore(%run_scoped3A : memref<!tpu.dma_semaphore, #tpu.memory_space<semaphore_mem>>)
      %dma_wait3A = arith.constant 0 : i32
      %dma_wait3A_45 = tpu.memref_slice %arg9[%add3A_24, %dma_wait3A] : memref<10240x128xf32, #tpu.memory_space<vmem_shared>> -> memref<128x128xf32, #tpu.memory_space<vmem_shared>>
      %dma_wait3A_46 = arith.constant 0 : i32
      %dma_wait3A_47 = tpu.memref_slice %arg9[%add3A_24, %dma_wait3A_46] : memref<10240x128xf32, #tpu.memory_space<vmem_shared>> -> memref<128x128xf32, #tpu.memory_space<vmem_shared>>
      tpu.wait_dma2 semaphore(%run_scoped3A : memref<!tpu.dma_semaphore, #tpu.memory_space<semaphore_mem>>) src(%arg7 : memref<128x128xf32, #tpu.memory_space<vmem>>) dst(%dma_wait3A_47 : memref<128x128xf32, #tpu.memory_space<vmem_shared>>)
      tpu.yield
    }) : () -> ()
    %barrier3A = arith.constant 0 : index
    tpu.barrier barrier_id(%barrier3A)
    %scan3A_25 = arith.constant 0 : i32
    %scan3A_26 = arith.constant 2 : i32
    %scan3A_27 = arith.addi %scan3A_25, %scan3A_26 : i32
    %scan3A_28 = arith.constant 1 : i32
    scf.for %scan3A_42 = %scan3A_25 to %scan3A_27 step %scan3A_28  : i32 {
      %mul3A_43 = arith.constant 1 : i32
      %mul3A_44 = arith.muli %scan3A_42, %mul3A_43 : i32
      %add3A_45 = arith.constant 0 : i32
      %add3A_46 = arith.addi %add3A_45, %mul3A_44 : i32
      %mul3A_47 = arith.constant 2 : i32
      %mul3A_48 = arith.muli %add3A, %mul3A_47 : i32
      %mul3A_49 = arith.constant 80 : i32
      %mul3A_50 = arith.muli %mul3A_48, %mul3A_49 : i32
      %mul3A_51 = arith.constant 2 : i32
      %mul3A_52 = arith.muli %add3A_46, %mul3A_51 : i32
      %mul3A_53 = arith.constant 40 : i32
      %mul3A_54 = arith.muli %mul3A_52, %mul3A_53 : i32
      %add3A_55 = arith.addi %mul3A_50, %mul3A_54 : i32
      "tpu.region"() ({
        %run_scoped3A = tpu.sem_alloc : memref<!tpu.dma_semaphore, #tpu.memory_space<semaphore_mem>>
        %dma_start3A_67 = arith.constant 0 : i32
        %dma_start3A_68 = tpu.memref_slice %arg3[%add3A_55, %dma_start3A_67] : memref<5120x128xi32, #tpu.memory_space<hbm>> -> memref<80x128xi32, #tpu.memory_space<hbm>>
        %dma_start3A_69 = arith.constant 0 : i32
        %dma_start3A_70 = tpu.memref_slice %arg3[%add3A_55, %dma_start3A_69] : memref<5120x128xi32, #tpu.memory_space<hbm>> -> memref<80x128xi32, #tpu.memory_space<hbm>>
        tpu.enqueue_dma source(%dma_start3A_70 : memref<80x128xi32, #tpu.memory_space<hbm>>) target(%arg6 : memref<80x128xi32, #tpu.memory_space<vmem>>) target_semaphore(%run_scoped3A : memref<!tpu.dma_semaphore, #tpu.memory_space<semaphore_mem>>)
        %dma_wait3A = arith.constant 0 : i32
        %dma_wait3A_71 = tpu.memref_slice %arg3[%add3A_55, %dma_wait3A] : memref<5120x128xi32, #tpu.memory_space<hbm>> -> memref<80x128xi32, #tpu.memory_space<hbm>>
        %dma_wait3A_72 = arith.constant 0 : i32
        %dma_wait3A_73 = tpu.memref_slice %arg3[%add3A_55, %dma_wait3A_72] : memref<5120x128xi32, #tpu.memory_space<hbm>> -> memref<80x128xi32, #tpu.memory_space<hbm>>
        tpu.wait_dma2 semaphore(%run_scoped3A : memref<!tpu.dma_semaphore, #tpu.memory_space<semaphore_mem>>) src(%dma_wait3A_73 : memref<80x128xi32, #tpu.memory_space<hbm>>) dst(%arg6 : memref<80x128xi32, #tpu.memory_space<vmem>>)
        tpu.yield
      }) : () -> ()
      %dma_start3A = arith.constant 0 : i32
      %dma_start3A_56 = arith.constant 0 : i32
      %dma_start3A_57 = tpu.memref_slice %arg6[%dma_start3A, %dma_start3A_56] : memref<80x128xi32, #tpu.memory_space<vmem>> -> memref<1x128xi32, #tpu.memory_space<vmem>>
      %dma_start3A_58 = tpu.memref_squeeze %dma_start3A_57 : memref<1x128xi32, #tpu.memory_space<vmem>> -> memref<128xi32, #tpu.memory_space<vmem>>
      %dma_start3A_59 = arith.constant 0 : i32
      %dma_start3A_60 = arith.constant 0 : i32
      %dma_start3A_61 = tpu.memref_slice %arg2[%dma_start3A_59, %dma_start3A_60] : memref<10000x128xf32, #tpu.memory_space<hbm>> -> memref<10000x128xf32, #tpu.memory_space<hbm>>
      tpu.enqueue_indirect_dma source(%dma_start3A_61 : memref<10000x128xf32, #tpu.memory_space<hbm>>) target(%arg7 : memref<128x128xf32, #tpu.memory_space<vmem>>) offsets(%dma_start3A_58 : memref<128xi32, #tpu.memory_space<vmem>>) semaphore(%arg10 : memref<!tpu.dma_semaphore, #tpu.memory_space<semaphore_mem>>)
      %scan3A_62 = arith.constant 0 : i32
      %scan3A_63 = arith.constant 20 : i32
      %scan3A_64 = arith.addi %scan3A_62, %scan3A_63 : i32
      %scan3A_65 = arith.constant 1 : i32
      scf.for %scan3A_67 = %scan3A_62 to %scan3A_64 step %scan3A_65  : i32 {
        %mul3A_68 = arith.constant 1 : i32
        %mul3A_69 = arith.muli %scan3A_67, %mul3A_68 : i32
        %add3A_70 = arith.constant 0 : i32
        %add3A_71 = arith.addi %add3A_70, %mul3A_69 : i32
        %mul3A_72 = arith.constant 2 : i32
        %mul3A_73 = arith.muli %mul3A_72, %add3A_71 : i32
        %mul3A_74 = arith.constant 2 : i32
        %mul3A_75 = arith.muli %mul3A_74, %mul3A_73 : i32
        %dma_wait3A = arith.constant 0 : i32
        %dma_wait3A_76 = tpu.memref_slice %arg6[%mul3A_75, %dma_wait3A] : memref<80x128xi32, #tpu.memory_space<vmem>> -> memref<1x128xi32, #tpu.memory_space<vmem>>
        %dma_wait3A_77 = tpu.memref_squeeze %dma_wait3A_76 : memref<1x128xi32, #tpu.memory_space<vmem>> -> memref<128xi32, #tpu.memory_space<vmem>>
        %dma_wait3A_78 = arith.constant 0 : i32
        %dma_wait3A_79 = arith.constant 0 : i32
        %dma_wait3A_80 = tpu.memref_slice %arg2[%dma_wait3A_78, %dma_wait3A_79] : memref<10000x128xf32, #tpu.memory_space<hbm>> -> memref<10000x128xf32, #tpu.memory_space<hbm>>
        tpu.wait_indirect_dma semaphore(%arg10 : memref<!tpu.dma_semaphore, #tpu.memory_space<semaphore_mem>>) src(%dma_wait3A_80 : memref<10000x128xf32, #tpu.memory_space<hbm>>) dst(%arg7 : memref<128x128xf32, #tpu.memory_space<vmem>>)
        %mul3A_81 = arith.constant 2 : i32
        %mul3A_82 = arith.muli %mul3A_81, %mul3A_73 : i32
        %add3A_83 = arith.constant 2 : i32
        %add3A_84 = arith.addi %mul3A_82, %add3A_83 : i32
        %dma_start3A_85 = arith.constant 0 : i32
        %dma_start3A_86 = tpu.memref_slice %arg6[%add3A_84, %dma_start3A_85] : memref<80x128xi32, #tpu.memory_space<vmem>> -> memref<1x128xi32, #tpu.memory_space<vmem>>
        %dma_start3A_87 = tpu.memref_squeeze %dma_start3A_86 : memref<1x128xi32, #tpu.memory_space<vmem>> -> memref<128xi32, #tpu.memory_space<vmem>>
        %dma_start3A_88 = arith.constant 0 : i32
        %dma_start3A_89 = arith.constant 0 : i32
        %dma_start3A_90 = tpu.memref_slice %arg2[%dma_start3A_88, %dma_start3A_89] : memref<10000x128xf32, #tpu.memory_space<hbm>> -> memref<10000x128xf32, #tpu.memory_space<hbm>>
        tpu.enqueue_indirect_dma source(%dma_start3A_90 : memref<10000x128xf32, #tpu.memory_space<hbm>>) target(%arg8 : memref<128x128xf32, #tpu.memory_space<vmem>>) offsets(%dma_start3A_87 : memref<128xi32, #tpu.memory_space<vmem>>) semaphore(%arg11 : memref<!tpu.dma_semaphore, #tpu.memory_space<semaphore_mem>>)
        %mul3A_91 = arith.constant 2 : i32
        %mul3A_92 = arith.muli %mul3A_91, %mul3A_73 : i32
        %add3A_93 = arith.constant 1 : i32
        %add3A_94 = arith.addi %mul3A_92, %add3A_93 : i32
        "tpu.region"() ({
          %run_scoped3A = tpu.sem_alloc : memref<!tpu.dma_semaphore, #tpu.memory_space<semaphore_mem>>
          %dma_start3A_116 = arith.constant 0 : i32
          %dma_start3A_117 = tpu.memref_slice %arg6[%add3A_94, %dma_start3A_116] : memref<80x128xi32, #tpu.memory_space<vmem>> -> memref<1x128xi32, #tpu.memory_space<vmem>>
          %dma_start3A_118 = tpu.memref_squeeze %dma_start3A_117 : memref<1x128xi32, #tpu.memory_space<vmem>> -> memref<128xi32, #tpu.memory_space<vmem>>
          %dma_start3A_119 = arith.constant 0 : i32
          %dma_start3A_120 = arith.constant 0 : i32
          %dma_start3A_121 = tpu.memref_slice %arg9[%dma_start3A_119, %dma_start3A_120] : memref<10240x128xf32, #tpu.memory_space<vmem_shared>> -> memref<10240x128xf32, #tpu.memory_space<vmem_shared>>
          tpu.enqueue_indirect_dma source(%arg7 : memref<128x128xf32, #tpu.memory_space<vmem>>) target(%dma_start3A_121 : memref<10240x128xf32, #tpu.memory_space<vmem_shared>>) offsets(%dma_start3A_118 : memref<128xi32, #tpu.memory_space<vmem>>) semaphore(%run_scoped3A : memref<!tpu.dma_semaphore, #tpu.memory_space<semaphore_mem>>) {add = true}
          %dma_wait3A_122 = arith.constant 0 : i32
          %dma_wait3A_123 = tpu.memref_slice %arg6[%add3A_94, %dma_wait3A_122] : memref<80x128xi32, #tpu.memory_space<vmem>> -> memref<1x128xi32, #tpu.memory_space<vmem>>
          %dma_wait3A_124 = tpu.memref_squeeze %dma_wait3A_123 : memref<1x128xi32, #tpu.memory_space<vmem>> -> memref<128xi32, #tpu.memory_space<vmem>>
          %dma_wait3A_125 = arith.constant 0 : i32
          %dma_wait3A_126 = arith.constant 0 : i32
          %dma_wait3A_127 = tpu.memref_slice %arg9[%dma_wait3A_125, %dma_wait3A_126] : memref<10240x128xf32, #tpu.memory_space<vmem_shared>> -> memref<10240x128xf32, #tpu.memory_space<vmem_shared>>
          tpu.wait_indirect_dma semaphore(%run_scoped3A : memref<!tpu.dma_semaphore, #tpu.memory_space<semaphore_mem>>) src(%arg7 : memref<128x128xf32, #tpu.memory_space<vmem>>) dst(%dma_wait3A_127 : memref<10240x128xf32, #tpu.memory_space<vmem_shared>>)
          tpu.yield
        }) : () -> ()
        %mul3A_95 = arith.constant 2 : i32
        %mul3A_96 = arith.muli %mul3A_95, %mul3A_73 : i32
        %add3A_97 = arith.constant 2 : i32
        %add3A_98 = arith.addi %mul3A_96, %add3A_97 : i32
        %dma_wait3A_99 = arith.constant 0 : i32
        %dma_wait3A_100 = tpu.memref_slice %arg6[%add3A_98, %dma_wait3A_99] : memref<80x128xi32, #tpu.memory_space<vmem>> -> memref<1x128xi32, #tpu.memory_space<vmem>>
        %dma_wait3A_101 = tpu.memref_squeeze %dma_wait3A_100 : memref<1x128xi32, #tpu.memory_space<vmem>> -> memref<128xi32, #tpu.memory_space<vmem>>
        %dma_wait3A_102 = arith.constant 0 : i32
        %dma_wait3A_103 = arith.constant 0 : i32
        %dma_wait3A_104 = tpu.memref_slice %arg2[%dma_wait3A_102, %dma_wait3A_103] : memref<10000x128xf32, #tpu.memory_space<hbm>> -> memref<10000x128xf32, #tpu.memory_space<hbm>>
        tpu.wait_indirect_dma semaphore(%arg11 : memref<!tpu.dma_semaphore, #tpu.memory_space<semaphore_mem>>) src(%dma_wait3A_104 : memref<10000x128xf32, #tpu.memory_space<hbm>>) dst(%arg8 : memref<128x128xf32, #tpu.memory_space<vmem>>)
        %add3A_105 = arith.constant 2 : i32
        %add3A_106 = arith.addi %mul3A_73, %add3A_105 : i32
        %lt3A_107 = arith.constant 40 : i32
        %lt3A_108 = arith.cmpi slt, %add3A_106, %lt3A_107 : i32
        %convert_element_type3A_109 = arith.extui %lt3A_108 : i1 to i32
        %cond3A_110 = arith.constant 0 : i32
        %cond3A_111 = arith.cmpi ne, %convert_element_type3A_109, %cond3A_110 : i32
        scf.if %cond3A_111 {
          %mul3A_116 = arith.constant 2 : i32
          %mul3A_117 = arith.muli %mul3A_116, %mul3A_73 : i32
          %add3A_118 = arith.constant 4 : i32
          %add3A_119 = arith.addi %mul3A_117, %add3A_118 : i32
          %dma_start3A_120 = arith.constant 0 : i32
          %dma_start3A_121 = tpu.memref_slice %arg6[%add3A_119, %dma_start3A_120] : memref<80x128xi32, #tpu.memory_space<vmem>> -> memref<1x128xi32, #tpu.memory_space<vmem>>
          %dma_start3A_122 = tpu.memref_squeeze %dma_start3A_121 : memref<1x128xi32, #tpu.memory_space<vmem>> -> memref<128xi32, #tpu.memory_space<vmem>>
          %dma_start3A_123 = arith.constant 0 : i32
          %dma_start3A_124 = arith.constant 0 : i32
          %dma_start3A_125 = tpu.memref_slice %arg2[%dma_start3A_123, %dma_start3A_124] : memref<10000x128xf32, #tpu.memory_space<hbm>> -> memref<10000x128xf32, #tpu.memory_space<hbm>>
          tpu.enqueue_indirect_dma source(%dma_start3A_125 : memref<10000x128xf32, #tpu.memory_space<hbm>>) target(%arg7 : memref<128x128xf32, #tpu.memory_space<vmem>>) offsets(%dma_start3A_122 : memref<128xi32, #tpu.memory_space<vmem>>) semaphore(%arg10 : memref<!tpu.dma_semaphore, #tpu.memory_space<semaphore_mem>>)
        } else {
        }
        %mul3A_112 = arith.constant 2 : i32
        %mul3A_113 = arith.muli %mul3A_112, %mul3A_73 : i32
        %add3A_114 = arith.constant 3 : i32
        %add3A_115 = arith.addi %mul3A_113, %add3A_114 : i32
        "tpu.region"() ({
          %run_scoped3A = tpu.sem_alloc : memref<!tpu.dma_semaphore, #tpu.memory_space<semaphore_mem>>
          %dma_start3A_116 = arith.constant 0 : i32
          %dma_start3A_117 = tpu.memref_slice %arg6[%add3A_115, %dma_start3A_116] : memref<80x128xi32, #tpu.memory_space<vmem>> -> memref<1x128xi32, #tpu.memory_space<vmem>>
          %dma_start3A_118 = tpu.memref_squeeze %dma_start3A_117 : memref<1x128xi32, #tpu.memory_space<vmem>> -> memref<128xi32, #tpu.memory_space<vmem>>
          %dma_start3A_119 = arith.constant 0 : i32
          %dma_start3A_120 = arith.constant 0 : i32
          %dma_start3A_121 = tpu.memref_slice %arg9[%dma_start3A_119, %dma_start3A_120] : memref<10240x128xf32, #tpu.memory_space<vmem_shared>> -> memref<10240x128xf32, #tpu.memory_space<vmem_shared>>
          tpu.enqueue_indirect_dma source(%arg8 : memref<128x128xf32, #tpu.memory_space<vmem>>) target(%dma_start3A_121 : memref<10240x128xf32, #tpu.memory_space<vmem_shared>>) offsets(%dma_start3A_118 : memref<128xi32, #tpu.memory_space<vmem>>) semaphore(%run_scoped3A : memref<!tpu.dma_semaphore, #tpu.memory_space<semaphore_mem>>) {add = true}
          %dma_wait3A_122 = arith.constant 0 : i32
          %dma_wait3A_123 = tpu.memref_slice %arg6[%add3A_115, %dma_wait3A_122] : memref<80x128xi32, #tpu.memory_space<vmem>> -> memref<1x128xi32, #tpu.memory_space<vmem>>
          %dma_wait3A_124 = tpu.memref_squeeze %dma_wait3A_123 : memref<1x128xi32, #tpu.memory_space<vmem>> -> memref<128xi32, #tpu.memory_space<vmem>>
          %dma_wait3A_125 = arith.constant 0 : i32
          %dma_wait3A_126 = arith.constant 0 : i32
          %dma_wait3A_127 = tpu.memref_slice %arg9[%dma_wait3A_125, %dma_wait3A_126] : memref<10240x128xf32, #tpu.memory_space<vmem_shared>> -> memref<10240x128xf32, #tpu.memory_space<vmem_shared>>
          tpu.wait_indirect_dma semaphore(%run_scoped3A : memref<!tpu.dma_semaphore, #tpu.memory_space<semaphore_mem>>) src(%arg8 : memref<128x128xf32, #tpu.memory_space<vmem>>) dst(%dma_wait3A_127 : memref<10240x128xf32, #tpu.memory_space<vmem_shared>>)
          tpu.yield
        }) : () -> ()
      }
      %scan3A_66 = arith.constant 20 : i32
    }
    %scan3A_29 = arith.constant 2 : i32
    %barrier3A_30 = arith.constant 0 : index
    tpu.barrier barrier_id(%barrier3A_30)
    %lt3A = arith.constant 10 : i32
    %lt3A_31 = arith.cmpi slt, %arg1, %lt3A : i32
    %eq3A = arith.constant 0 : i32
    %eq3A_32 = arith.cmpi eq, %arg0, %eq3A : i32
    %and3A = arith.andi %lt3A_31, %eq3A_32 : i1
    %convert_element_type3A = arith.extui %and3A : i1 to i32
    %cond3A = arith.constant 0 : i32
    %cond3A_33 = arith.cmpi ne, %convert_element_type3A, %cond3A : i32
    scf.if %cond3A_33 {
      %mul3A_42 = arith.constant 1000 : i32
      %mul3A_43 = arith.muli %arg1, %mul3A_42 : i32
      %mul3A_44 = arith.constant 1000 : i32
      %mul3A_45 = arith.muli %arg1, %mul3A_44 : i32
      "tpu.region"() ({
        %run_scoped3A = tpu.sem_alloc : memref<!tpu.dma_semaphore, #tpu.memory_space<semaphore_mem>>
        %dma_start3A = arith.constant 0 : i32
        %dma_start3A_46 = tpu.memref_slice %arg4[%mul3A_45, %dma_start3A] : memref<10000x128xf32, #tpu.memory_space<hbm>> -> memref<1000x128xf32, #tpu.memory_space<hbm>>
        %dma_start3A_47 = arith.constant 0 : i32
        %dma_start3A_48 = tpu.memref_slice %arg9[%mul3A_43, %dma_start3A_47] : memref<10240x128xf32, #tpu.memory_space<vmem_shared>> -> memref<1000x128xf32, #tpu.memory_space<vmem_shared>>
        tpu.enqueue_dma source(%dma_start3A_48 : memref<1000x128xf32, #tpu.memory_space<vmem_shared>>) target(%dma_start3A_46 : memref<1000x128xf32, #tpu.memory_space<hbm>>) target_semaphore(%run_scoped3A : memref<!tpu.dma_semaphore, #tpu.memory_space<semaphore_mem>>)
        %dma_wait3A = arith.constant 0 : i32
        %dma_wait3A_49 = tpu.memref_slice %arg4[%mul3A_45, %dma_wait3A] : memref<10000x128xf32, #tpu.memory_space<hbm>> -> memref<1000x128xf32, #tpu.memory_space<hbm>>
        %dma_wait3A_50 = arith.constant 0 : i32
        %dma_wait3A_51 = tpu.memref_slice %arg9[%mul3A_43, %dma_wait3A_50] : memref<10240x128xf32, #tpu.memory_space<vmem_shared>> -> memref<1000x128xf32, #tpu.memory_space<vmem_shared>>
        tpu.wait_dma2 semaphore(%run_scoped3A : memref<!tpu.dma_semaphore, #tpu.memory_space<semaphore_mem>>) src(%dma_wait3A_51 : memref<1000x128xf32, #tpu.memory_space<vmem_shared>>) dst(%dma_wait3A_49 : memref<1000x128xf32, #tpu.memory_space<hbm>>)
        tpu.yield
      }) : () -> ()
    } else {
    }
    %lt3A_34 = arith.constant 10 : i32
    %lt3A_35 = arith.cmpi slt, %arg1, %lt3A_34 : i32
    %eq3A_36 = arith.constant 1 : i32
    %eq3A_37 = arith.cmpi eq, %arg0, %eq3A_36 : i32
    %and3A_38 = arith.andi %lt3A_35, %eq3A_37 : i1
    %convert_element_type3A_39 = arith.extui %and3A_38 : i1 to i32
    %cond3A_40 = arith.constant 0 : i32
    %cond3A_41 = arith.cmpi ne, %convert_element_type3A_39, %cond3A_40 : i32
    scf.if %cond3A_41 {
      %mul3A_42 = arith.constant 1000 : i32
      %mul3A_43 = arith.muli %arg1, %mul3A_42 : i32
      %mul3A_44 = arith.constant 1000 : i32
      %mul3A_45 = arith.muli %arg1, %mul3A_44 : i32
      "tpu.region"() ({
        %run_scoped3A = tpu.sem_alloc : memref<!tpu.dma_semaphore, #tpu.memory_space<semaphore_mem>>
        %dma_start3A = arith.constant 0 : i32
        %dma_start3A_46 = tpu.memref_slice %arg5[%mul3A_45, %dma_start3A] : memref<10000x128xf32, #tpu.memory_space<hbm>> -> memref<1000x128xf32, #tpu.memory_space<hbm>>
        %dma_start3A_47 = arith.constant 0 : i32
        %dma_start3A_48 = tpu.memref_slice %arg9[%mul3A_43, %dma_start3A_47] : memref<10240x128xf32, #tpu.memory_space<vmem_shared>> -> memref<1000x128xf32, #tpu.memory_space<vmem_shared>>
        tpu.enqueue_dma source(%dma_start3A_48 : memref<1000x128xf32, #tpu.memory_space<vmem_shared>>) target(%dma_start3A_46 : memref<1000x128xf32, #tpu.memory_space<hbm>>) target_semaphore(%run_scoped3A : memref<!tpu.dma_semaphore, #tpu.memory_space<semaphore_mem>>)
        %dma_wait3A = arith.constant 0 : i32
        %dma_wait3A_49 = tpu.memref_slice %arg5[%mul3A_45, %dma_wait3A] : memref<10000x128xf32, #tpu.memory_space<hbm>> -> memref<1000x128xf32, #tpu.memory_space<hbm>>
        %dma_wait3A_50 = arith.constant 0 : i32
        %dma_wait3A_51 = tpu.memref_slice %arg9[%mul3A_43, %dma_wait3A_50] : memref<10240x128xf32, #tpu.memory_space<vmem_shared>> -> memref<1000x128xf32, #tpu.memory_space<vmem_shared>>
        tpu.wait_dma2 semaphore(%run_scoped3A : memref<!tpu.dma_semaphore, #tpu.memory_space<semaphore_mem>>) src(%dma_wait3A_51 : memref<1000x128xf32, #tpu.memory_space<vmem_shared>>) dst(%dma_wait3A_49 : memref<1000x128xf32, #tpu.memory_space<hbm>>)
        tpu.yield
      }) : () -> ()
    } else {
    }
    return
  }
}

#map = affine_map<(d0, d1) -> (0, 0)>
module attributes {stable_mosaic.version = 14 : i64} {
  func.func @_agg_kernel(%arg0: i32, %arg1: i32, %arg2: memref<10000x128xf32, #tpu.memory_space<hbm>>, %arg3: memref<5120x128xi32, #tpu.memory_space<hbm>>, %arg4: memref<10000x128xf32, #tpu.memory_space<hbm>>, %arg5: memref<10000x128xf32, #tpu.memory_space<hbm>>, %arg6: memref<80x128xi32, #tpu.memory_space<vmem>>, %arg7: memref<128x128xf32, #tpu.memory_space<vmem>>, %arg8: memref<128x128xf32, #tpu.memory_space<vmem>>, %arg9: memref<10240x128xf32, #tpu.memory_space<vmem_shared>>, %arg10: memref<!tpu.dma_semaphore, #tpu.memory_space<semaphore_mem>>, %arg11: memref<!tpu.dma_semaphore, #tpu.memory_space<semaphore_mem>>) attributes {dimension_semantics = [#tpu.dimension_semantics<core_parallel>, #tpu.dimension_semantics<subcore_parallel>], iteration_bounds = array<i64: 2, 16>, scalar_prefetch = 0 : i64, scratch_operands = 6 : i64, tpu.core_type = #tpu.core_type<sc_vector_subcore>, window_params = [{transform_indices = #map}, {transform_indices = #map}, {transform_indices = #map}, {transform_indices = #map}]} {
    %mul3A = arith.constant 16 : i32
    %mul3A_0 = arith.muli %arg0, %mul3A : i32
    %add3A = arith.addi %mul3A_0, %arg1 : i32
    %scan3A = arith.constant 0 : i32
    %scan3A_1 = arith.constant 128 : i32
    %scan3A_2 = arith.addi %scan3A, %scan3A_1 : i32
    %scan3A_3 = arith.constant 1 : i32
    scf.for %scan3A_42 = %scan3A to %scan3A_2 step %scan3A_3  : i32 {
      %mul3A_43 = arith.constant 1 : i32
      %mul3A_44 = arith.muli %scan3A_42, %mul3A_43 : i32
      %add3A_45 = arith.constant 0 : i32
      %add3A_46 = arith.addi %add3A_45, %mul3A_44 : i32
      %scan3A_47 = arith.constant 0 : i32
      %scan3A_48 = arith.constant 8 : i32
      %scan3A_49 = arith.addi %scan3A_47, %scan3A_48 : i32
      %scan3A_50 = arith.constant 1 : i32
      scf.for %scan3A_52 = %scan3A_47 to %scan3A_49 step %scan3A_50  : i32 {
        %mul3A_53 = arith.constant 16 : i32
        %mul3A_54 = arith.muli %scan3A_52, %mul3A_53 : i32
        %add3A_55 = arith.constant 0 : i32
        %add3A_56 = arith.addi %add3A_55, %mul3A_54 : i32
        %broadcast_in_dim3A = arith.constant 0.000000e+00 : f32
        %broadcast_in_dim3A_57 = vector.broadcast %broadcast_in_dim3A : f32 to vector<16xf32>
        %swap3A = arith.index_cast %add3A_46 : i32 to index
        %swap3A_58 = arith.index_cast %add3A_56 : i32 to index
        %swap3A_59 = tpu.vector_load %arg7[%swap3A, %swap3A_58] {strides = array<i32>} : memref<128x128xf32, #tpu.memory_space<vmem>>, vector<1x16xf32>,
        %swap3A_60 = vector.shape_cast %swap3A_59 : vector<1x16xf32> to vector<16xf32>
        %swap3A_61 = vector.shape_cast %broadcast_in_dim3A_57 : vector<16xf32> to vector<1x16xf32>
        tpu.vector_store %arg7[%swap3A, %swap3A_58], %swap3A_61 {strides = array<i32>} : memref<128x128xf32, #tpu.memory_space<vmem>>, vector<1x16xf32>,
      }
      %scan3A_51 = arith.constant 8 : i32
    }
    %scan3A_4 = arith.constant 128 : i32
    %mul3A_5 = arith.constant 640 : i32
    %mul3A_6 = arith.muli %arg1, %mul3A_5 : i32
    %add3A_7 = arith.constant 0 : i32
    %add3A_8 = arith.addi %mul3A_6, %add3A_7 : i32
    "tpu.region"() ({
      %run_scoped3A = tpu.sem_alloc : memref<!tpu.dma_semaphore, #tpu.memory_space<semaphore_mem>>
      %dma_start3A = arith.constant 0 : i32
      %dma_start3A_42 = tpu.memref_slice %arg9[%add3A_8, %dma_start3A] : memref<10240x128xf32, #tpu.memory_space<vmem_shared>> -> memref<128x128xf32, #tpu.memory_space<vmem_shared>>
      %dma_start3A_43 = arith.constant 0 : i32
      %dma_start3A_44 = tpu.memref_slice %arg9[%add3A_8, %dma_start3A_43] : memref<10240x128xf32, #tpu.memory_space<vmem_shared>> -> memref<128x128xf32, #tpu.memory_space<vmem_shared>>
      tpu.enqueue_dma source(%arg7 : memref<128x128xf32, #tpu.memory_space<vmem>>) target(%dma_start3A_44 : memref<128x128xf32, #tpu.memory_space<vmem_shared>>) target_semaphore(%run_scoped3A : memref<!tpu.dma_semaphore, #tpu.memory_space<semaphore_mem>>)
      %dma_wait3A = arith.constant 0 : i32
      %dma_wait3A_45 = tpu.memref_slice %arg9[%add3A_8, %dma_wait3A] : memref<10240x128xf32, #tpu.memory_space<vmem_shared>> -> memref<128x128xf32, #tpu.memory_space<vmem_shared>>
      %dma_wait3A_46 = arith.constant 0 : i32
      %dma_wait3A_47 = tpu.memref_slice %arg9[%add3A_8, %dma_wait3A_46] : memref<10240x128xf32, #tpu.memory_space<vmem_shared>> -> memref<128x128xf32, #tpu.memory_space<vmem_shared>>
      tpu.wait_dma2 semaphore(%run_scoped3A : memref<!tpu.dma_semaphore, #tpu.memory_space<semaphore_mem>>) src(%arg7 : memref<128x128xf32, #tpu.memory_space<vmem>>) dst(%dma_wait3A_47 : memref<128x128xf32, #tpu.memory_space<vmem_shared>>)
      tpu.yield
    }) : () -> ()
    %mul3A_9 = arith.constant 640 : i32
    %mul3A_10 = arith.muli %arg1, %mul3A_9 : i32
    %add3A_11 = arith.constant 128 : i32
    %add3A_12 = arith.addi %mul3A_10, %add3A_11 : i32
    "tpu.region"() ({
      %run_scoped3A = tpu.sem_alloc : memref<!tpu.dma_semaphore, #tpu.memory_space<semaphore_mem>>
      %dma_start3A = arith.constant 0 : i32
      %dma_start3A_42 = tpu.memref_slice %arg9[%add3A_12, %dma_start3A] : memref<10240x128xf32, #tpu.memory_space<vmem_shared>> -> memref<128x128xf32, #tpu.memory_space<vmem_shared>>
      %dma_start3A_43 = arith.constant 0 : i32
      %dma_start3A_44 = tpu.memref_slice %arg9[%add3A_12, %dma_start3A_43] : memref<10240x128xf32, #tpu.memory_space<vmem_shared>> -> memref<128x128xf32, #tpu.memory_space<vmem_shared>>
      tpu.enqueue_dma source(%arg7 : memref<128x128xf32, #tpu.memory_space<vmem>>) target(%dma_start3A_44 : memref<128x128xf32, #tpu.memory_space<vmem_shared>>) target_semaphore(%run_scoped3A : memref<!tpu.dma_semaphore, #tpu.memory_space<semaphore_mem>>)
      %dma_wait3A = arith.constant 0 : i32
      %dma_wait3A_45 = tpu.memref_slice %arg9[%add3A_12, %dma_wait3A] : memref<10240x128xf32, #tpu.memory_space<vmem_shared>> -> memref<128x128xf32, #tpu.memory_space<vmem_shared>>
      %dma_wait3A_46 = arith.constant 0 : i32
      %dma_wait3A_47 = tpu.memref_slice %arg9[%add3A_12, %dma_wait3A_46] : memref<10240x128xf32, #tpu.memory_space<vmem_shared>> -> memref<128x128xf32, #tpu.memory_space<vmem_shared>>
      tpu.wait_dma2 semaphore(%run_scoped3A : memref<!tpu.dma_semaphore, #tpu.memory_space<semaphore_mem>>) src(%arg7 : memref<128x128xf32, #tpu.memory_space<vmem>>) dst(%dma_wait3A_47 : memref<128x128xf32, #tpu.memory_space<vmem_shared>>)
      tpu.yield
    }) : () -> ()
    %mul3A_13 = arith.constant 640 : i32
    %mul3A_14 = arith.muli %arg1, %mul3A_13 : i32
    %add3A_15 = arith.constant 256 : i32
    %add3A_16 = arith.addi %mul3A_14, %add3A_15 : i32
    "tpu.region"() ({
      %run_scoped3A = tpu.sem_alloc : memref<!tpu.dma_semaphore, #tpu.memory_space<semaphore_mem>>
      %dma_start3A = arith.constant 0 : i32
      %dma_start3A_42 = tpu.memref_slice %arg9[%add3A_16, %dma_start3A] : memref<10240x128xf32, #tpu.memory_space<vmem_shared>> -> memref<128x128xf32, #tpu.memory_space<vmem_shared>>
      %dma_start3A_43 = arith.constant 0 : i32
      %dma_start3A_44 = tpu.memref_slice %arg9[%add3A_16, %dma_start3A_43] : memref<10240x128xf32, #tpu.memory_space<vmem_shared>> -> memref<128x128xf32, #tpu.memory_space<vmem_shared>>
      tpu.enqueue_dma source(%arg7 : memref<128x128xf32, #tpu.memory_space<vmem>>) target(%dma_start3A_44 : memref<128x128xf32, #tpu.memory_space<vmem_shared>>) target_semaphore(%run_scoped3A : memref<!tpu.dma_semaphore, #tpu.memory_space<semaphore_mem>>)
      %dma_wait3A = arith.constant 0 : i32
      %dma_wait3A_45 = tpu.memref_slice %arg9[%add3A_16, %dma_wait3A] : memref<10240x128xf32, #tpu.memory_space<vmem_shared>> -> memref<128x128xf32, #tpu.memory_space<vmem_shared>>
      %dma_wait3A_46 = arith.constant 0 : i32
      %dma_wait3A_47 = tpu.memref_slice %arg9[%add3A_16, %dma_wait3A_46] : memref<10240x128xf32, #tpu.memory_space<vmem_shared>> -> memref<128x128xf32, #tpu.memory_space<vmem_shared>>
      tpu.wait_dma2 semaphore(%run_scoped3A : memref<!tpu.dma_semaphore, #tpu.memory_space<semaphore_mem>>) src(%arg7 : memref<128x128xf32, #tpu.memory_space<vmem>>) dst(%dma_wait3A_47 : memref<128x128xf32, #tpu.memory_space<vmem_shared>>)
      tpu.yield
    }) : () -> ()
    %mul3A_17 = arith.constant 640 : i32
    %mul3A_18 = arith.muli %arg1, %mul3A_17 : i32
    %add3A_19 = arith.constant 384 : i32
    %add3A_20 = arith.addi %mul3A_18, %add3A_19 : i32
    "tpu.region"() ({
      %run_scoped3A = tpu.sem_alloc : memref<!tpu.dma_semaphore, #tpu.memory_space<semaphore_mem>>
      %dma_start3A = arith.constant 0 : i32
      %dma_start3A_42 = tpu.memref_slice %arg9[%add3A_20, %dma_start3A] : memref<10240x128xf32, #tpu.memory_space<vmem_shared>> -> memref<128x128xf32, #tpu.memory_space<vmem_shared>>
      %dma_start3A_43 = arith.constant 0 : i32
      %dma_start3A_44 = tpu.memref_slice %arg9[%add3A_20, %dma_start3A_43] : memref<10240x128xf32, #tpu.memory_space<vmem_shared>> -> memref<128x128xf32, #tpu.memory_space<vmem_shared>>
      tpu.enqueue_dma source(%arg7 : memref<128x128xf32, #tpu.memory_space<vmem>>) target(%dma_start3A_44 : memref<128x128xf32, #tpu.memory_space<vmem_shared>>) target_semaphore(%run_scoped3A : memref<!tpu.dma_semaphore, #tpu.memory_space<semaphore_mem>>)
      %dma_wait3A = arith.constant 0 : i32
      %dma_wait3A_45 = tpu.memref_slice %arg9[%add3A_20, %dma_wait3A] : memref<10240x128xf32, #tpu.memory_space<vmem_shared>> -> memref<128x128xf32, #tpu.memory_space<vmem_shared>>
      %dma_wait3A_46 = arith.constant 0 : i32
      %dma_wait3A_47 = tpu.memref_slice %arg9[%add3A_20, %dma_wait3A_46] : memref<10240x128xf32, #tpu.memory_space<vmem_shared>> -> memref<128x128xf32, #tpu.memory_space<vmem_shared>>
      tpu.wait_dma2 semaphore(%run_scoped3A : memref<!tpu.dma_semaphore, #tpu.memory_space<semaphore_mem>>) src(%arg7 : memref<128x128xf32, #tpu.memory_space<vmem>>) dst(%dma_wait3A_47 : memref<128x128xf32, #tpu.memory_space<vmem_shared>>)
      tpu.yield
    }) : () -> ()
    %mul3A_21 = arith.constant 640 : i32
    %mul3A_22 = arith.muli %arg1, %mul3A_21 : i32
    %add3A_23 = arith.constant 512 : i32
    %add3A_24 = arith.addi %mul3A_22, %add3A_23 : i32
    "tpu.region"() ({
      %run_scoped3A = tpu.sem_alloc : memref<!tpu.dma_semaphore, #tpu.memory_space<semaphore_mem>>
      %dma_start3A = arith.constant 0 : i32
      %dma_start3A_42 = tpu.memref_slice %arg9[%add3A_24, %dma_start3A] : memref<10240x128xf32, #tpu.memory_space<vmem_shared>> -> memref<128x128xf32, #tpu.memory_space<vmem_shared>>
      %dma_start3A_43 = arith.constant 0 : i32
      %dma_start3A_44 = tpu.memref_slice %arg9[%add3A_24, %dma_start3A_43] : memref<10240x128xf32, #tpu.memory_space<vmem_shared>> -> memref<128x128xf32, #tpu.memory_space<vmem_shared>>
      tpu.enqueue_dma source(%arg7 : memref<128x128xf32, #tpu.memory_space<vmem>>) target(%dma_start3A_44 : memref<128x128xf32, #tpu.memory_space<vmem_shared>>) target_semaphore(%run_scoped3A : memref<!tpu.dma_semaphore, #tpu.memory_space<semaphore_mem>>)
      %dma_wait3A = arith.constant 0 : i32
      %dma_wait3A_45 = tpu.memref_slice %arg9[%add3A_24, %dma_wait3A] : memref<10240x128xf32, #tpu.memory_space<vmem_shared>> -> memref<128x128xf32, #tpu.memory_space<vmem_shared>>
      %dma_wait3A_46 = arith.constant 0 : i32
      %dma_wait3A_47 = tpu.memref_slice %arg9[%add3A_24, %dma_wait3A_46] : memref<10240x128xf32, #tpu.memory_space<vmem_shared>> -> memref<128x128xf32, #tpu.memory_space<vmem_shared>>
      tpu.wait_dma2 semaphore(%run_scoped3A : memref<!tpu.dma_semaphore, #tpu.memory_space<semaphore_mem>>) src(%arg7 : memref<128x128xf32, #tpu.memory_space<vmem>>) dst(%dma_wait3A_47 : memref<128x128xf32, #tpu.memory_space<vmem_shared>>)
      tpu.yield
    }) : () -> ()
    %barrier3A = arith.constant 0 : index
    tpu.barrier barrier_id(%barrier3A)
    %scan3A_25 = arith.constant 0 : i32
    %scan3A_26 = arith.constant 2 : i32
    %scan3A_27 = arith.addi %scan3A_25, %scan3A_26 : i32
    %scan3A_28 = arith.constant 1 : i32
    scf.for %scan3A_42 = %scan3A_25 to %scan3A_27 step %scan3A_28  : i32 {
      %mul3A_43 = arith.constant 1 : i32
      %mul3A_44 = arith.muli %scan3A_42, %mul3A_43 : i32
      %add3A_45 = arith.constant 0 : i32
      %add3A_46 = arith.addi %add3A_45, %mul3A_44 : i32
      %mul3A_47 = arith.constant 2 : i32
      %mul3A_48 = arith.muli %add3A, %mul3A_47 : i32
      %mul3A_49 = arith.constant 80 : i32
      %mul3A_50 = arith.muli %mul3A_48, %mul3A_49 : i32
      %mul3A_51 = arith.constant 2 : i32
      %mul3A_52 = arith.muli %add3A_46, %mul3A_51 : i32
      %mul3A_53 = arith.constant 40 : i32
      %mul3A_54 = arith.muli %mul3A_52, %mul3A_53 : i32
      %add3A_55 = arith.addi %mul3A_50, %mul3A_54 : i32
      "tpu.region"() ({
        %run_scoped3A = tpu.sem_alloc : memref<!tpu.dma_semaphore, #tpu.memory_space<semaphore_mem>>
        %dma_start3A_67 = arith.constant 0 : i32
        %dma_start3A_68 = tpu.memref_slice %arg3[%add3A_55, %dma_start3A_67] : memref<5120x128xi32, #tpu.memory_space<hbm>> -> memref<80x128xi32, #tpu.memory_space<hbm>>
        %dma_start3A_69 = arith.constant 0 : i32
        %dma_start3A_70 = tpu.memref_slice %arg3[%add3A_55, %dma_start3A_69] : memref<5120x128xi32, #tpu.memory_space<hbm>> -> memref<80x128xi32, #tpu.memory_space<hbm>>
        tpu.enqueue_dma source(%dma_start3A_70 : memref<80x128xi32, #tpu.memory_space<hbm>>) target(%arg6 : memref<80x128xi32, #tpu.memory_space<vmem>>) target_semaphore(%run_scoped3A : memref<!tpu.dma_semaphore, #tpu.memory_space<semaphore_mem>>)
        %dma_wait3A = arith.constant 0 : i32
        %dma_wait3A_71 = tpu.memref_slice %arg3[%add3A_55, %dma_wait3A] : memref<5120x128xi32, #tpu.memory_space<hbm>> -> memref<80x128xi32, #tpu.memory_space<hbm>>
        %dma_wait3A_72 = arith.constant 0 : i32
        %dma_wait3A_73 = tpu.memref_slice %arg3[%add3A_55, %dma_wait3A_72] : memref<5120x128xi32, #tpu.memory_space<hbm>> -> memref<80x128xi32, #tpu.memory_space<hbm>>
        tpu.wait_dma2 semaphore(%run_scoped3A : memref<!tpu.dma_semaphore, #tpu.memory_space<semaphore_mem>>) src(%dma_wait3A_73 : memref<80x128xi32, #tpu.memory_space<hbm>>) dst(%arg6 : memref<80x128xi32, #tpu.memory_space<vmem>>)
        tpu.yield
      }) : () -> ()
      %dma_start3A = arith.constant 0 : i32
      %dma_start3A_56 = arith.constant 0 : i32
      %dma_start3A_57 = tpu.memref_slice %arg6[%dma_start3A, %dma_start3A_56] : memref<80x128xi32, #tpu.memory_space<vmem>> -> memref<1x128xi32, #tpu.memory_space<vmem>>
      %dma_start3A_58 = tpu.memref_squeeze %dma_start3A_57 : memref<1x128xi32, #tpu.memory_space<vmem>> -> memref<128xi32, #tpu.memory_space<vmem>>
      %dma_start3A_59 = arith.constant 0 : i32
      %dma_start3A_60 = arith.constant 0 : i32
      %dma_start3A_61 = tpu.memref_slice %arg2[%dma_start3A_59, %dma_start3A_60] : memref<10000x128xf32, #tpu.memory_space<hbm>> -> memref<10000x128xf32, #tpu.memory_space<hbm>>
      tpu.enqueue_indirect_dma source(%dma_start3A_61 : memref<10000x128xf32, #tpu.memory_space<hbm>>) target(%arg7 : memref<128x128xf32, #tpu.memory_space<vmem>>) offsets(%dma_start3A_58 : memref<128xi32, #tpu.memory_space<vmem>>) semaphore(%arg10 : memref<!tpu.dma_semaphore, #tpu.memory_space<semaphore_mem>>)
      %scan3A_62 = arith.constant 0 : i32
      %scan3A_63 = arith.constant 20 : i32
      %scan3A_64 = arith.addi %scan3A_62, %scan3A_63 : i32
      %scan3A_65 = arith.constant 1 : i32
      scf.for %scan3A_67 = %scan3A_62 to %scan3A_64 step %scan3A_65  : i32 {
        %mul3A_68 = arith.constant 1 : i32
        %mul3A_69 = arith.muli %scan3A_67, %mul3A_68 : i32
        %add3A_70 = arith.constant 0 : i32
        %add3A_71 = arith.addi %add3A_70, %mul3A_69 : i32
        %mul3A_72 = arith.constant 2 : i32
        %mul3A_73 = arith.muli %mul3A_72, %add3A_71 : i32
        %mul3A_74 = arith.constant 2 : i32
        %mul3A_75 = arith.muli %mul3A_74, %mul3A_73 : i32
        %dma_wait3A = arith.constant 0 : i32
        %dma_wait3A_76 = tpu.memref_slice %arg6[%mul3A_75, %dma_wait3A] : memref<80x128xi32, #tpu.memory_space<vmem>> -> memref<1x128xi32, #tpu.memory_space<vmem>>
        %dma_wait3A_77 = tpu.memref_squeeze %dma_wait3A_76 : memref<1x128xi32, #tpu.memory_space<vmem>> -> memref<128xi32, #tpu.memory_space<vmem>>
        %dma_wait3A_78 = arith.constant 0 : i32
        %dma_wait3A_79 = arith.constant 0 : i32
        %dma_wait3A_80 = tpu.memref_slice %arg2[%dma_wait3A_78, %dma_wait3A_79] : memref<10000x128xf32, #tpu.memory_space<hbm>> -> memref<10000x128xf32, #tpu.memory_space<hbm>>
        tpu.wait_indirect_dma semaphore(%arg10 : memref<!tpu.dma_semaphore, #tpu.memory_space<semaphore_mem>>) src(%dma_wait3A_80 : memref<10000x128xf32, #tpu.memory_space<hbm>>) dst(%arg7 : memref<128x128xf32, #tpu.memory_space<vmem>>)
        %mul3A_81 = arith.constant 2 : i32
        %mul3A_82 = arith.muli %mul3A_81, %mul3A_73 : i32
        %add3A_83 = arith.constant 2 : i32
        %add3A_84 = arith.addi %mul3A_82, %add3A_83 : i32
        %dma_start3A_85 = arith.constant 0 : i32
        %dma_start3A_86 = tpu.memref_slice %arg6[%add3A_84, %dma_start3A_85] : memref<80x128xi32, #tpu.memory_space<vmem>> -> memref<1x128xi32, #tpu.memory_space<vmem>>
        %dma_start3A_87 = tpu.memref_squeeze %dma_start3A_86 : memref<1x128xi32, #tpu.memory_space<vmem>> -> memref<128xi32, #tpu.memory_space<vmem>>
        %dma_start3A_88 = arith.constant 0 : i32
        %dma_start3A_89 = arith.constant 0 : i32
        %dma_start3A_90 = tpu.memref_slice %arg2[%dma_start3A_88, %dma_start3A_89] : memref<10000x128xf32, #tpu.memory_space<hbm>> -> memref<10000x128xf32, #tpu.memory_space<hbm>>
        tpu.enqueue_indirect_dma source(%dma_start3A_90 : memref<10000x128xf32, #tpu.memory_space<hbm>>) target(%arg8 : memref<128x128xf32, #tpu.memory_space<vmem>>) offsets(%dma_start3A_87 : memref<128xi32, #tpu.memory_space<vmem>>) semaphore(%arg11 : memref<!tpu.dma_semaphore, #tpu.memory_space<semaphore_mem>>)
        %mul3A_91 = arith.constant 2 : i32
        %mul3A_92 = arith.muli %mul3A_91, %mul3A_73 : i32
        %add3A_93 = arith.constant 1 : i32
        %add3A_94 = arith.addi %mul3A_92, %add3A_93 : i32
        "tpu.region"() ({
          %run_scoped3A = tpu.sem_alloc : memref<!tpu.dma_semaphore, #tpu.memory_space<semaphore_mem>>
          %dma_start3A_116 = arith.constant 0 : i32
          %dma_start3A_117 = tpu.memref_slice %arg6[%add3A_94, %dma_start3A_116] : memref<80x128xi32, #tpu.memory_space<vmem>> -> memref<1x128xi32, #tpu.memory_space<vmem>>
          %dma_start3A_118 = tpu.memref_squeeze %dma_start3A_117 : memref<1x128xi32, #tpu.memory_space<vmem>> -> memref<128xi32, #tpu.memory_space<vmem>>
          %dma_start3A_119 = arith.constant 0 : i32
          %dma_start3A_120 = arith.constant 0 : i32
          %dma_start3A_121 = tpu.memref_slice %arg9[%dma_start3A_119, %dma_start3A_120] : memref<10240x128xf32, #tpu.memory_space<vmem_shared>> -> memref<10240x128xf32, #tpu.memory_space<vmem_shared>>
          tpu.enqueue_indirect_dma source(%arg7 : memref<128x128xf32, #tpu.memory_space<vmem>>) target(%dma_start3A_121 : memref<10240x128xf32, #tpu.memory_space<vmem_shared>>) offsets(%dma_start3A_118 : memref<128xi32, #tpu.memory_space<vmem>>) semaphore(%run_scoped3A : memref<!tpu.dma_semaphore, #tpu.memory_space<semaphore_mem>>) {add = true}
          %dma_wait3A_122 = arith.constant 0 : i32
          %dma_wait3A_123 = tpu.memref_slice %arg6[%add3A_94, %dma_wait3A_122] : memref<80x128xi32, #tpu.memory_space<vmem>> -> memref<1x128xi32, #tpu.memory_space<vmem>>
          %dma_wait3A_124 = tpu.memref_squeeze %dma_wait3A_123 : memref<1x128xi32, #tpu.memory_space<vmem>> -> memref<128xi32, #tpu.memory_space<vmem>>
          %dma_wait3A_125 = arith.constant 0 : i32
          %dma_wait3A_126 = arith.constant 0 : i32
          %dma_wait3A_127 = tpu.memref_slice %arg9[%dma_wait3A_125, %dma_wait3A_126] : memref<10240x128xf32, #tpu.memory_space<vmem_shared>> -> memref<10240x128xf32, #tpu.memory_space<vmem_shared>>
          tpu.wait_indirect_dma semaphore(%run_scoped3A : memref<!tpu.dma_semaphore, #tpu.memory_space<semaphore_mem>>) src(%arg7 : memref<128x128xf32, #tpu.memory_space<vmem>>) dst(%dma_wait3A_127 : memref<10240x128xf32, #tpu.memory_space<vmem_shared>>)
          tpu.yield
        }) : () -> ()
        %mul3A_95 = arith.constant 2 : i32
        %mul3A_96 = arith.muli %mul3A_95, %mul3A_73 : i32
        %add3A_97 = arith.constant 2 : i32
        %add3A_98 = arith.addi %mul3A_96, %add3A_97 : i32
        %dma_wait3A_99 = arith.constant 0 : i32
        %dma_wait3A_100 = tpu.memref_slice %arg6[%add3A_98, %dma_wait3A_99] : memref<80x128xi32, #tpu.memory_space<vmem>> -> memref<1x128xi32, #tpu.memory_space<vmem>>
        %dma_wait3A_101 = tpu.memref_squeeze %dma_wait3A_100 : memref<1x128xi32, #tpu.memory_space<vmem>> -> memref<128xi32, #tpu.memory_space<vmem>>
        %dma_wait3A_102 = arith.constant 0 : i32
        %dma_wait3A_103 = arith.constant 0 : i32
        %dma_wait3A_104 = tpu.memref_slice %arg2[%dma_wait3A_102, %dma_wait3A_103] : memref<10000x128xf32, #tpu.memory_space<hbm>> -> memref<10000x128xf32, #tpu.memory_space<hbm>>
        tpu.wait_indirect_dma semaphore(%arg11 : memref<!tpu.dma_semaphore, #tpu.memory_space<semaphore_mem>>) src(%dma_wait3A_104 : memref<10000x128xf32, #tpu.memory_space<hbm>>) dst(%arg8 : memref<128x128xf32, #tpu.memory_space<vmem>>)
        %add3A_105 = arith.constant 2 : i32
        %add3A_106 = arith.addi %mul3A_73, %add3A_105 : i32
        %lt3A_107 = arith.constant 40 : i32
        %lt3A_108 = arith.cmpi slt, %add3A_106, %lt3A_107 : i32
        %convert_element_type3A_109 = arith.extui %lt3A_108 : i1 to i32
        %cond3A_110 = arith.constant 0 : i32
        %cond3A_111 = arith.cmpi ne, %convert_element_type3A_109, %cond3A_110 : i32
        scf.if %cond3A_111 {
          %mul3A_116 = arith.constant 2 : i32
          %mul3A_117 = arith.muli %mul3A_116, %mul3A_73 : i32
          %add3A_118 = arith.constant 4 : i32
          %add3A_119 = arith.addi %mul3A_117, %add3A_118 : i32
          %dma_start3A_120 = arith.constant 0 : i32
          %dma_start3A_121 = tpu.memref_slice %arg6[%add3A_119, %dma_start3A_120] : memref<80x128xi32, #tpu.memory_space<vmem>> -> memref<1x128xi32, #tpu.memory_space<vmem>>
          %dma_start3A_122 = tpu.memref_squeeze %dma_start3A_121 : memref<1x128xi32, #tpu.memory_space<vmem>> -> memref<128xi32, #tpu.memory_space<vmem>>
          %dma_start3A_123 = arith.constant 0 : i32
          %dma_start3A_124 = arith.constant 0 : i32
          %dma_start3A_125 = tpu.memref_slice %arg2[%dma_start3A_123, %dma_start3A_124] : memref<10000x128xf32, #tpu.memory_space<hbm>> -> memref<10000x128xf32, #tpu.memory_space<hbm>>
          tpu.enqueue_indirect_dma source(%dma_start3A_125 : memref<10000x128xf32, #tpu.memory_space<hbm>>) target(%arg7 : memref<128x128xf32, #tpu.memory_space<vmem>>) offsets(%dma_start3A_122 : memref<128xi32, #tpu.memory_space<vmem>>) semaphore(%arg10 : memref<!tpu.dma_semaphore, #tpu.memory_space<semaphore_mem>>)
        } else {
        }
        %mul3A_112 = arith.constant 2 : i32
        %mul3A_113 = arith.muli %mul3A_112, %mul3A_73 : i32
        %add3A_114 = arith.constant 3 : i32
        %add3A_115 = arith.addi %mul3A_113, %add3A_114 : i32
        "tpu.region"() ({
          %run_scoped3A = tpu.sem_alloc : memref<!tpu.dma_semaphore, #tpu.memory_space<semaphore_mem>>
          %dma_start3A_116 = arith.constant 0 : i32
          %dma_start3A_117 = tpu.memref_slice %arg6[%add3A_115, %dma_start3A_116] : memref<80x128xi32, #tpu.memory_space<vmem>> -> memref<1x128xi32, #tpu.memory_space<vmem>>
          %dma_start3A_118 = tpu.memref_squeeze %dma_start3A_117 : memref<1x128xi32, #tpu.memory_space<vmem>> -> memref<128xi32, #tpu.memory_space<vmem>>
          %dma_start3A_119 = arith.constant 0 : i32
          %dma_start3A_120 = arith.constant 0 : i32
          %dma_start3A_121 = tpu.memref_slice %arg9[%dma_start3A_119, %dma_start3A_120] : memref<10240x128xf32, #tpu.memory_space<vmem_shared>> -> memref<10240x128xf32, #tpu.memory_space<vmem_shared>>
          tpu.enqueue_indirect_dma source(%arg8 : memref<128x128xf32, #tpu.memory_space<vmem>>) target(%dma_start3A_121 : memref<10240x128xf32, #tpu.memory_space<vmem_shared>>) offsets(%dma_start3A_118 : memref<128xi32, #tpu.memory_space<vmem>>) semaphore(%run_scoped3A : memref<!tpu.dma_semaphore, #tpu.memory_space<semaphore_mem>>) {add = true}
          %dma_wait3A_122 = arith.constant 0 : i32
          %dma_wait3A_123 = tpu.memref_slice %arg6[%add3A_115, %dma_wait3A_122] : memref<80x128xi32, #tpu.memory_space<vmem>> -> memref<1x128xi32, #tpu.memory_space<vmem>>
          %dma_wait3A_124 = tpu.memref_squeeze %dma_wait3A_123 : memref<1x128xi32, #tpu.memory_space<vmem>> -> memref<128xi32, #tpu.memory_space<vmem>>
          %dma_wait3A_125 = arith.constant 0 : i32
          %dma_wait3A_126 = arith.constant 0 : i32
          %dma_wait3A_127 = tpu.memref_slice %arg9[%dma_wait3A_125, %dma_wait3A_126] : memref<10240x128xf32, #tpu.memory_space<vmem_shared>> -> memref<10240x128xf32, #tpu.memory_space<vmem_shared>>
          tpu.wait_indirect_dma semaphore(%run_scoped3A : memref<!tpu.dma_semaphore, #tpu.memory_space<semaphore_mem>>) src(%arg8 : memref<128x128xf32, #tpu.memory_space<vmem>>) dst(%dma_wait3A_127 : memref<10240x128xf32, #tpu.memory_space<vmem_shared>>)
          tpu.yield
        }) : () -> ()
      }
      %scan3A_66 = arith.constant 20 : i32
    }
    %scan3A_29 = arith.constant 2 : i32
    %barrier3A_30 = arith.constant 0 : index
    tpu.barrier barrier_id(%barrier3A_30)
    %lt3A = arith.constant 10 : i32
    %lt3A_31 = arith.cmpi slt, %arg1, %lt3A : i32
    %eq3A = arith.constant 0 : i32
    %eq3A_32 = arith.cmpi eq, %arg0, %eq3A : i32
    %and3A = arith.andi %lt3A_31, %eq3A_32 : i1
    %convert_element_type3A = arith.extui %and3A : i1 to i32
    %cond3A = arith.constant 0 : i32
    %cond3A_33 = arith.cmpi ne, %convert_element_type3A, %cond3A : i32
    scf.if %cond3A_33 {
      %mul3A_42 = arith.constant 1000 : i32
      %mul3A_43 = arith.muli %arg1, %mul3A_42 : i32
      %mul3A_44 = arith.constant 1000 : i32
      %mul3A_45 = arith.muli %arg1, %mul3A_44 : i32
      "tpu.region"() ({
        %run_scoped3A = tpu.sem_alloc : memref<!tpu.dma_semaphore, #tpu.memory_space<semaphore_mem>>
        %dma_start3A = arith.constant 0 : i32
        %dma_start3A_46 = tpu.memref_slice %arg4[%mul3A_45, %dma_start3A] : memref<10000x128xf32, #tpu.memory_space<hbm>> -> memref<1000x128xf32, #tpu.memory_space<hbm>>
        %dma_start3A_47 = arith.constant 0 : i32
        %dma_start3A_48 = tpu.memref_slice %arg9[%mul3A_43, %dma_start3A_47] : memref<10240x128xf32, #tpu.memory_space<vmem_shared>> -> memref<1000x128xf32, #tpu.memory_space<vmem_shared>>
        tpu.enqueue_dma source(%dma_start3A_48 : memref<1000x128xf32, #tpu.memory_space<vmem_shared>>) target(%dma_start3A_46 : memref<1000x128xf32, #tpu.memory_space<hbm>>) target_semaphore(%run_scoped3A : memref<!tpu.dma_semaphore, #tpu.memory_space<semaphore_mem>>)
        %dma_wait3A = arith.constant 0 : i32
        %dma_wait3A_49 = tpu.memref_slice %arg4[%mul3A_45, %dma_wait3A] : memref<10000x128xf32, #tpu.memory_space<hbm>> -> memref<1000x128xf32, #tpu.memory_space<hbm>>
        %dma_wait3A_50 = arith.constant 0 : i32
        %dma_wait3A_51 = tpu.memref_slice %arg9[%mul3A_43, %dma_wait3A_50] : memref<10240x128xf32, #tpu.memory_space<vmem_shared>> -> memref<1000x128xf32, #tpu.memory_space<vmem_shared>>
        tpu.wait_dma2 semaphore(%run_scoped3A : memref<!tpu.dma_semaphore, #tpu.memory_space<semaphore_mem>>) src(%dma_wait3A_51 : memref<1000x128xf32, #tpu.memory_space<vmem_shared>>) dst(%dma_wait3A_49 : memref<1000x128xf32, #tpu.memory_space<hbm>>)
        tpu.yield
      }) : () -> ()
    } else {
    }
    %lt3A_34 = arith.constant 10 : i32
    %lt3A_35 = arith.cmpi slt, %arg1, %lt3A_34 : i32
    %eq3A_36 = arith.constant 1 : i32
    %eq3A_37 = arith.cmpi eq, %arg0, %eq3A_36 : i32
    %and3A_38 = arith.andi %lt3A_35, %eq3A_37 : i1
    %convert_element_type3A_39 = arith.extui %and3A_38 : i1 to i32
    %cond3A_40 = arith.constant 0 : i32
    %cond3A_41 = arith.cmpi ne, %convert_element_type3A_39, %cond3A_40 : i32
    scf.if %cond3A_41 {
      %mul3A_42 = arith.constant 1000 : i32
      %mul3A_43 = arith.muli %arg1, %mul3A_42 : i32
      %mul3A_44 = arith.constant 1000 : i32
      %mul3A_45 = arith.muli %arg1, %mul3A_44 : i32
      "tpu.region"() ({
        %run_scoped3A = tpu.sem_alloc : memref<!tpu.dma_semaphore, #tpu.memory_space<semaphore_mem>>
        %dma_start3A = arith.constant 0 : i32
        %dma_start3A_46 = tpu.memref_slice %arg5[%mul3A_45, %dma_start3A] : memref<10000x128xf32, #tpu.memory_space<hbm>> -> memref<1000x128xf32, #tpu.memory_space<hbm>>
        %dma_start3A_47 = arith.constant 0 : i32
        %dma_start3A_48 = tpu.memref_slice %arg9[%mul3A_43, %dma_start3A_47] : memref<10240x128xf32, #tpu.memory_space<vmem_shared>> -> memref<1000x128xf32, #tpu.memory_space<vmem_shared>>
        tpu.enqueue_dma source(%dma_start3A_48 : memref<1000x128xf32, #tpu.memory_space<vmem_shared>>) target(%dma_start3A_46 : memref<1000x128xf32, #tpu.memory_space<hbm>>) target_semaphore(%run_scoped3A : memref<!tpu.dma_semaphore, #tpu.memory_space<semaphore_mem>>)
        %dma_wait3A = arith.constant 0 : i32
        %dma_wait3A_49 = tpu.memref_slice %arg5[%mul3A_45, %dma_wait3A] : memref<10000x128xf32, #tpu.memory_space<hbm>> -> memref<1000x128xf32, #tpu.memory_space<hbm>>
        %dma_wait3A_50 = arith.constant 0 : i32
        %dma_wait3A_51 = tpu.memref_slice %arg9[%mul3A_43, %dma_wait3A_50] : memref<10240x128xf32, #tpu.memory_space<vmem_shared>> -> memref<1000x128xf32, #tpu.memory_space<vmem_shared>>
        tpu.wait_dma2 semaphore(%run_scoped3A : memref<!tpu.dma_semaphore, #tpu.memory_space<semaphore_mem>>) src(%dma_wait3A_51 : memref<1000x128xf32, #tpu.memory_space<vmem_shared>>) dst(%dma_wait3A_49 : memref<1000x128xf32, #tpu.memory_space<hbm>>)
        tpu.yield
      }) : () -> ()
    } else {
    }
    return
  }
}

module attributes {stable_mosaic.version = 14 : i64} {
  func.func @_mm1_body(%arg0: i32, %arg1: memref<2000x1xf32, #tpu.memory_space<vmem>>, %arg2: memref<2000x1xf32, #tpu.memory_space<vmem>>, %arg3: memref<2000x128xf32, #tpu.memory_space<vmem>>, %arg4: memref<128x128xf32, #tpu.memory_space<vmem>>, %arg5: memref<2000x128xf32, #tpu.memory_space<vmem>>, %arg6: memref<2000x1xf32, #tpu.memory_space<vmem>>) attributes {dimension_semantics = [#tpu.dimension_semantics<arbitrary>], iteration_bounds = array<i64: 5>, scalar_prefetch = 0 : i64, scratch_operands = 0 : i64, tpu.core_type = #tpu.core_type<tc>, window_params = [{transform_indices = @transform_0, window_bounds = array<i64: 2000, 1>}, {transform_indices = @transform_1, window_bounds = array<i64: 2000, 1>}, {transform_indices = @transform_2, window_bounds = array<i64: 2000, 128>}, {pipeline_mode = #tpu.pipeline_mode<synchronous>, transform_indices = @transform_3, window_bounds = array<i64: 128, 128>}, {transform_indices = @transform_4, window_bounds = array<i64: 2000, 128>}, {transform_indices = @transform_5, window_bounds = array<i64: 2000, 1>}]} {
    %get3A = arith.constant 0 : index
    %get3A_0 = arith.constant 0 : index
    %get3A_1 = vector.load %arg1[%get3A, %get3A_0] : memref<2000x1xf32, #tpu.memory_space<vmem>>, vector<2000x1xf32>
    %get3A_2 = arith.constant 0 : index
    %get3A_3 = arith.constant 0 : index
    %get3A_4 = vector.load %arg2[%get3A_2, %get3A_3] : memref<2000x1xf32, #tpu.memory_space<vmem>>, vector<2000x1xf32>
    %add3A = arith.addf %get3A_1, %get3A_4 : vector<2000x1xf32>
    %add3A_5 = arith.constant 1.000000e+00 : f32
    %add3A_6 = vector.broadcast %add3A_5 : f32 to vector<2000x1xf32>
    %add3A_7 = arith.addf %add3A, %add3A_6 : vector<2000x1xf32>
    %rsqrt3A = math.rsqrt %add3A_7 : vector<2000x1xf32>
    %get3A_8 = arith.constant 0 : index
    %get3A_9 = arith.constant 0 : index
    %get3A_10 = vector.load %arg3[%get3A_8, %get3A_9] : memref<2000x128xf32, #tpu.memory_space<vmem>>, vector<2000x128xf32>
    %get3A_11 = arith.constant 0 : index
    %get3A_12 = arith.constant 0 : index
    %get3A_13 = vector.load %arg4[%get3A_11, %get3A_12] : memref<128x128xf32, #tpu.memory_space<vmem>>, vector<128x128xf32>
    %dot_general3A = arith.constant dense<0.000000e+00> : vector<2000x128xf32>
    %dot_general3A_14 = tpu.matmul %get3A_10, %get3A_13, %dot_general3A {dimension_numbers = #tpu.dot_dimension_numbers<[1], [0], [0], [1], [0, 0, 1, 1], [], []>, transpose_lhs_hint = false} : vector<2000x128xf32>, vector<128x128xf32>, vector<2000x128xf32> -> vector<2000x128xf32>
    %mul3A = vector.broadcast %rsqrt3A : vector<2000x1xf32> to vector<2000x128xf32>
    %mul3A_15 = arith.mulf %dot_general3A_14, %mul3A : vector<2000x128xf32>
    %swap3A = arith.constant 0 : index
    %swap3A_16 = arith.constant 0 : index
    %swap3A_17 = vector.load %arg5[%swap3A, %swap3A_16] : memref<2000x128xf32, #tpu.memory_space<vmem>>, vector<2000x128xf32>
    tpu.vector_store %arg5[%swap3A, %swap3A_16], %mul3A_15 {strides = array<i32>} : memref<2000x128xf32, #tpu.memory_space<vmem>>, vector<2000x128xf32>,
    %swap3A_18 = arith.constant 0 : index
    %swap3A_19 = arith.constant 0 : index
    %swap3A_20 = vector.load %arg6[%swap3A_18, %swap3A_19] : memref<2000x1xf32, #tpu.memory_space<vmem>>, vector<2000x1xf32>
    tpu.vector_store %arg6[%swap3A_18, %swap3A_19], %rsqrt3A {strides = array<i32>} : memref<2000x1xf32, #tpu.memory_space<vmem>>, vector<2000x1xf32>,
    return
  }
  func.func @transform_0(%arg0: i32) -> (i32, i32) {
    %c0_i32 = arith.constant 0 : i32
    %c0_i32_0 = arith.constant 0 : i32
    return %arg0, %c0_i32 : i32, i32
  }
  func.func @transform_1(%arg0: i32) -> (i32, i32) {
    %c0_i32 = arith.constant 0 : i32
    %c0_i32_0 = arith.constant 0 : i32
    return %arg0, %c0_i32 : i32, i32
  }
  func.func @transform_2(%arg0: i32) -> (i32, i32) {
    %c0_i32 = arith.constant 0 : i32
    %c0_i32_0 = arith.constant 0 : i32
    return %arg0, %c0_i32 : i32, i32
  }
  func.func @transform_3(%arg0: i32) -> (i32, i32) {
    %c0_i32 = arith.constant 0 : i32
    %c0_i32_0 = arith.constant 0 : i32
    %c0_i32_1 = arith.constant 0 : i32
    return %c0_i32, %c0_i32_0 : i32, i32
  }
  func.func @transform_4(%arg0: i32) -> (i32, i32) {
    %c0_i32 = arith.constant 0 : i32
    %c0_i32_0 = arith.constant 0 : i32
    return %arg0, %c0_i32 : i32, i32
  }
  func.func @transform_5(%arg0: i32) -> (i32, i32) {
    %c0_i32 = arith.constant 0 : i32
    %c0_i32_0 = arith.constant 0 : i32
    return %arg0, %c0_i32 : i32, i32
  }
}

module attributes {stable_mosaic.version = 14 : i64} {
  func.func @_mid_body(%arg0: i32, %arg1: memref<2000x128xf32, #tpu.memory_space<vmem>>, %arg2: memref<2000x128xf32, #tpu.memory_space<vmem>>, %arg3: memref<2000x128xf32, #tpu.memory_space<vmem>>, %arg4: memref<2000x1xf32, #tpu.memory_space<vmem>>, %arg5: memref<1x128xf32, #tpu.memory_space<vmem>>, %arg6: memref<128x128xf32, #tpu.memory_space<vmem>>, %arg7: memref<2000x128xf32, #tpu.memory_space<vmem>>) attributes {dimension_semantics = [#tpu.dimension_semantics<arbitrary>], iteration_bounds = array<i64: 5>, scalar_prefetch = 0 : i64, scratch_operands = 0 : i64, tpu.core_type = #tpu.core_type<tc>, window_params = [{transform_indices = @transform_0, window_bounds = array<i64: 2000, 128>}, {transform_indices = @transform_1, window_bounds = array<i64: 2000, 128>}, {transform_indices = @transform_2, window_bounds = array<i64: 2000, 128>}, {transform_indices = @transform_3, window_bounds = array<i64: 2000, 1>}, {pipeline_mode = #tpu.pipeline_mode<synchronous>, transform_indices = @transform_4, window_bounds = array<i64: 1, 128>}, {pipeline_mode = #tpu.pipeline_mode<synchronous>, transform_indices = @transform_5, window_bounds = array<i64: 128, 128>}, {transform_indices = @transform_6, window_bounds = array<i64: 2000, 128>}]} {
    %get3A = arith.constant 0 : index
    %get3A_0 = arith.constant 0 : index
    %get3A_1 = vector.load %arg4[%get3A, %get3A_0] : memref<2000x1xf32, #tpu.memory_space<vmem>>, vector<2000x1xf32>
    %get3A_2 = arith.constant 0 : index
    %get3A_3 = arith.constant 0 : index
    %get3A_4 = vector.load %arg1[%get3A_2, %get3A_3] : memref<2000x128xf32, #tpu.memory_space<vmem>>, vector<2000x128xf32>
    %get3A_5 = arith.constant 0 : index
    %get3A_6 = arith.constant 0 : index
    %get3A_7 = vector.load %arg2[%get3A_5, %get3A_6] : memref<2000x128xf32, #tpu.memory_space<vmem>>, vector<2000x128xf32>
    %add3A = arith.addf %get3A_4, %get3A_7 : vector<2000x128xf32>
    %get3A_8 = arith.constant 0 : index
    %get3A_9 = arith.constant 0 : index
    %get3A_10 = vector.load %arg3[%get3A_8, %get3A_9] : memref<2000x128xf32, #tpu.memory_space<vmem>>, vector<2000x128xf32>
    %add3A_11 = arith.addf %add3A, %get3A_10 : vector<2000x128xf32>
    %mul3A = vector.broadcast %get3A_1 : vector<2000x1xf32> to vector<2000x128xf32>
    %mul3A_12 = arith.mulf %mul3A, %add3A_11 : vector<2000x128xf32>
    %get3A_13 = arith.constant 0 : index
    %get3A_14 = arith.constant 0 : index
    %get3A_15 = vector.load %arg5[%get3A_13, %get3A_14] : memref<1x128xf32, #tpu.memory_space<vmem>>, vector<1x128xf32>
    %add3A_16 = vector.broadcast %get3A_15 : vector<1x128xf32> to vector<2000x128xf32>
    %add3A_17 = arith.addf %mul3A_12, %add3A_16 : vector<2000x128xf32>
    %max3A = arith.constant 0.000000e+00 : f32
    %max3A_18 = vector.broadcast %max3A : f32 to vector<2000x128xf32>
    %max3A_19 = arith.maximumf %add3A_17, %max3A_18 : vector<2000x128xf32>
    %get3A_20 = arith.constant 0 : index
    %get3A_21 = arith.constant 0 : index
    %get3A_22 = vector.load %arg6[%get3A_20, %get3A_21] : memref<128x128xf32, #tpu.memory_space<vmem>>, vector<128x128xf32>
    %dot_general3A = arith.constant dense<0.000000e+00> : vector<2000x128xf32>
    %dot_general3A_23 = tpu.matmul %max3A_19, %get3A_22, %dot_general3A {dimension_numbers = #tpu.dot_dimension_numbers<[1], [0], [0], [1], [0, 0, 1, 1], [], []>, transpose_lhs_hint = false} : vector<2000x128xf32>, vector<128x128xf32>, vector<2000x128xf32> -> vector<2000x128xf32>
    %mul3A_24 = vector.broadcast %get3A_1 : vector<2000x1xf32> to vector<2000x128xf32>
    %mul3A_25 = arith.mulf %dot_general3A_23, %mul3A_24 : vector<2000x128xf32>
    %swap3A = arith.constant 0 : index
    %swap3A_26 = arith.constant 0 : index
    %swap3A_27 = vector.load %arg7[%swap3A, %swap3A_26] : memref<2000x128xf32, #tpu.memory_space<vmem>>, vector<2000x128xf32>
    tpu.vector_store %arg7[%swap3A, %swap3A_26], %mul3A_25 {strides = array<i32>} : memref<2000x128xf32, #tpu.memory_space<vmem>>, vector<2000x128xf32>,
    return
  }
  func.func @transform_0(%arg0: i32) -> (i32, i32) {
    %c0_i32 = arith.constant 0 : i32
    %c0_i32_0 = arith.constant 0 : i32
    return %arg0, %c0_i32 : i32, i32
  }
  func.func @transform_1(%arg0: i32) -> (i32, i32) {
    %c0_i32 = arith.constant 0 : i32
    %c0_i32_0 = arith.constant 0 : i32
    return %arg0, %c0_i32 : i32, i32
  }
  func.func @transform_2(%arg0: i32) -> (i32, i32) {
    %c0_i32 = arith.constant 0 : i32
    %c0_i32_0 = arith.constant 0 : i32
    return %arg0, %c0_i32 : i32, i32
  }
  func.func @transform_3(%arg0: i32) -> (i32, i32) {
    %c0_i32 = arith.constant 0 : i32
    %c0_i32_0 = arith.constant 0 : i32
    return %arg0, %c0_i32 : i32, i32
  }
  func.func @transform_4(%arg0: i32) -> (i32, i32) {
    %c0_i32 = arith.constant 0 : i32
    %c0_i32_0 = arith.constant 0 : i32
    %c0_i32_1 = arith.constant 0 : i32
    return %c0_i32, %c0_i32_0 : i32, i32
  }
  func.func @transform_5(%arg0: i32) -> (i32, i32) {
    %c0_i32 = arith.constant 0 : i32
    %c0_i32_0 = arith.constant 0 : i32
    %c0_i32_1 = arith.constant 0 : i32
    return %c0_i32, %c0_i32_0 : i32, i32
  }
  func.func @transform_6(%arg0: i32) -> (i32, i32) {
    %c0_i32 = arith.constant 0 : i32
    %c0_i32_0 = arith.constant 0 : i32
    return %arg0, %c0_i32 : i32, i32
  }
}

module attributes {stable_mosaic.version = 14 : i64} {
  func.func @_fin_body(%arg0: i32, %arg1: memref<2000x128xf32, #tpu.memory_space<vmem>>, %arg2: memref<2000x128xf32, #tpu.memory_space<vmem>>, %arg3: memref<2000x128xf32, #tpu.memory_space<vmem>>, %arg4: memref<2000x1xf32, #tpu.memory_space<vmem>>, %arg5: memref<1x128xf32, #tpu.memory_space<vmem>>, %arg6: memref<128x2xf32, #tpu.memory_space<vmem>>, %arg7: memref<1x2xf32, #tpu.memory_space<vmem>>, %arg8: memref<2000x2xf32, #tpu.memory_space<vmem>>) attributes {dimension_semantics = [#tpu.dimension_semantics<arbitrary>], iteration_bounds = array<i64: 5>, scalar_prefetch = 0 : i64, scratch_operands = 0 : i64, tpu.core_type = #tpu.core_type<tc>, window_params = [{transform_indices = @transform_0, window_bounds = array<i64: 2000, 128>}, {transform_indices = @transform_1, window_bounds = array<i64: 2000, 128>}, {transform_indices = @transform_2, window_bounds = array<i64: 2000, 128>}, {transform_indices = @transform_3, window_bounds = array<i64: 2000, 1>}, {pipeline_mode = #tpu.pipeline_mode<synchronous>, transform_indices = @transform_4, window_bounds = array<i64: 1, 128>}, {pipeline_mode = #tpu.pipeline_mode<synchronous>, transform_indices = @transform_5, window_bounds = array<i64: 128, 2>}, {pipeline_mode = #tpu.pipeline_mode<synchronous>, transform_indices = @transform_6, window_bounds = array<i64: 1, 2>}, {transform_indices = @transform_7, window_bounds = array<i64: 2000, 2>}]} {
    %get3A = arith.constant 0 : index
    %get3A_0 = arith.constant 0 : index
    %get3A_1 = vector.load %arg4[%get3A, %get3A_0] : memref<2000x1xf32, #tpu.memory_space<vmem>>, vector<2000x1xf32>
    %get3A_2 = arith.constant 0 : index
    %get3A_3 = arith.constant 0 : index
    %get3A_4 = vector.load %arg1[%get3A_2, %get3A_3] : memref<2000x128xf32, #tpu.memory_space<vmem>>, vector<2000x128xf32>
    %get3A_5 = arith.constant 0 : index
    %get3A_6 = arith.constant 0 : index
    %get3A_7 = vector.load %arg2[%get3A_5, %get3A_6] : memref<2000x128xf32, #tpu.memory_space<vmem>>, vector<2000x128xf32>
    %add3A = arith.addf %get3A_4, %get3A_7 : vector<2000x128xf32>
    %get3A_8 = arith.constant 0 : index
    %get3A_9 = arith.constant 0 : index
    %get3A_10 = vector.load %arg3[%get3A_8, %get3A_9] : memref<2000x128xf32, #tpu.memory_space<vmem>>, vector<2000x128xf32>
    %add3A_11 = arith.addf %add3A, %get3A_10 : vector<2000x128xf32>
    %mul3A = vector.broadcast %get3A_1 : vector<2000x1xf32> to vector<2000x128xf32>
    %mul3A_12 = arith.mulf %mul3A, %add3A_11 : vector<2000x128xf32>
    %get3A_13 = arith.constant 0 : index
    %get3A_14 = arith.constant 0 : index
    %get3A_15 = vector.load %arg5[%get3A_13, %get3A_14] : memref<1x128xf32, #tpu.memory_space<vmem>>, vector<1x128xf32>
    %add3A_16 = vector.broadcast %get3A_15 : vector<1x128xf32> to vector<2000x128xf32>
    %add3A_17 = arith.addf %mul3A_12, %add3A_16 : vector<2000x128xf32>
    %max3A = arith.constant 0.000000e+00 : f32
    %max3A_18 = vector.broadcast %max3A : f32 to vector<2000x128xf32>
    %max3A_19 = arith.maximumf %add3A_17, %max3A_18 : vector<2000x128xf32>
    %get3A_20 = arith.constant 0 : index
    %get3A_21 = arith.constant 0 : index
    %get3A_22 = vector.load %arg6[%get3A_20, %get3A_21] : memref<128x2xf32, #tpu.memory_space<vmem>>, vector<128x2xf32>
    %dot_general3A = arith.constant dense<0.000000e+00> : vector<2000x2xf32>
    %dot_general3A_23 = tpu.matmul %max3A_19, %get3A_22, %dot_general3A {dimension_numbers = #tpu.dot_dimension_numbers<[1], [0], [0], [1], [0, 0, 1, 1], [], []>, transpose_lhs_hint = false} : vector<2000x128xf32>, vector<128x2xf32>, vector<2000x2xf32> -> vector<2000x2xf32>
    %get3A_24 = arith.constant 0 : index
    %get3A_25 = arith.constant 0 : index
    %get3A_26 = vector.load %arg7[%get3A_24, %get3A_25] : memref<1x2xf32, #tpu.memory_space<vmem>>, vector<1x2xf32>
    %add3A_27 = vector.broadcast %get3A_26 : vector<1x2xf32> to vector<2000x2xf32>
    %add3A_28 = arith.addf %dot_general3A_23, %add3A_27 : vector<2000x2xf32>
    %swap3A = arith.constant 0 : index
    %swap3A_29 = arith.constant 0 : index
    %swap3A_30 = vector.load %arg8[%swap3A, %swap3A_29] : memref<2000x2xf32, #tpu.memory_space<vmem>>, vector<2000x2xf32>
    tpu.vector_store %arg8[%swap3A, %swap3A_29], %add3A_28 {strides = array<i32>} : memref<2000x2xf32, #tpu.memory_space<vmem>>, vector<2000x2xf32>,
    return
  }
  func.func @transform_0(%arg0: i32) -> (i32, i32) {
    %c0_i32 = arith.constant 0 : i32
    %c0_i32_0 = arith.constant 0 : i32
    return %arg0, %c0_i32 : i32, i32
  }
  func.func @transform_1(%arg0: i32) -> (i32, i32) {
    %c0_i32 = arith.constant 0 : i32
    %c0_i32_0 = arith.constant 0 : i32
    return %arg0, %c0_i32 : i32, i32
  }
  func.func @transform_2(%arg0: i32) -> (i32, i32) {
    %c0_i32 = arith.constant 0 : i32
    %c0_i32_0 = arith.constant 0 : i32
    return %arg0, %c0_i32 : i32, i32
  }
  func.func @transform_3(%arg0: i32) -> (i32, i32) {
    %c0_i32 = arith.constant 0 : i32
    %c0_i32_0 = arith.constant 0 : i32
    return %arg0, %c0_i32 : i32, i32
  }
  func.func @transform_4(%arg0: i32) -> (i32, i32) {
    %c0_i32 = arith.constant 0 : i32
    %c0_i32_0 = arith.constant 0 : i32
    %c0_i32_1 = arith.constant 0 : i32
    return %c0_i32, %c0_i32_0 : i32, i32
  }
  func.func @transform_5(%arg0: i32) -> (i32, i32) {
    %c0_i32 = arith.constant 0 : i32
    %c0_i32_0 = arith.constant 0 : i32
    %c0_i32_1 = arith.constant 0 : i32
    return %c0_i32, %c0_i32_0 : i32, i32
  }
  func.func @transform_6(%arg0: i32) -> (i32, i32) {
    %c0_i32 = arith.constant 0 : i32
    %c0_i32_0 = arith.constant 0 : i32
    %c0_i32_1 = arith.constant 0 : i32
    return %c0_i32, %c0_i32_0 : i32, i32
  }
  func.func @transform_7(%arg0: i32) -> (i32, i32) {
    %c0_i32 = arith.constant 0 : i32
    %c0_i32_0 = arith.constant 0 : i32
    return %arg0, %c0_i32 : i32, i32
  }
}

</mosaic_0001>

<sc_bundles>
// kernel: kernel.12.cloned.1.call-start
scs
__scs_entry_jumppad:
0x0: {  	(pc) =	sbr.rel $0x88, $3  }
0x1: {  	(tag) =	ssettag $0x0;
	lr =	simm.s32 $0x1  }
0x2: {  	[smem:$0x3F99] =	sst lr;
	_ =	strace $0xD0000000  }
0x3: {  	_ = 	snop  }
0x4: {  	_ = 	snop  }
0x5: {  	_ = 	snop  }
0x6: {  	_ = 	snop  }
0x7: {  	_ = 	snop  }
__scs_overlays_trampoline_lowered:
0x8: {  	[smem:$0x3FA8] =	sst s0  }
0x9: {  	[smem:$0x3FA9] =	sst s1  }
0xa: {  	[smem:$0x3FAA] =	sst s2  }
0xb: {  	[smem:$0x3FAB] =	sst s3  }
0xc: {  	[smem:$0x3FAC] =	sst s4  }
0xd: {  	[smem:$0x3FAD] =	sst s5  }
0xe: {  	[smem:$0x3FAE] =	sst s6  }
0xf: {  	[smem:$0x3FAF] =	sst s7  }
0x10: {  	[smem:$0x3FB0] =	sst s8  }
0x11: {  	[smem:$0x3FB1] =	sst s9;
	s0 =	simm.s32 @!p0 $0x0  }
0x12: {  	s1 =	sld [smem:$0x3F97];
	s0 =	simm.s32 @p0 $0x1  }
0x13: {  	[smem:$0x3FB2] =	sst s0;
	s0 =	simm.s32 @!p1 $0x0  }
0x14: {  	s2 =	sld [smem:$0x3F96];
	s0 =	simm.s32 @p1 $0x1  }
0x15: {  	[smem:$0x3FB3] =	sst s0;
	s0 =	simm.s32 @!p2 $0x0  }
0x16: {  	s3 =	sld [smem:$0x3FDB];
	s0 =	simm.s32 @p2 $0x1  }
0x17: {  	s4 =	simm.s32 $0x1BF5;
	[smem:$0x3FB5] =	sst s0  }
0x18: {  	s0 =	sld [smem:$0x3F98];
	_ =	swait.ge [sflag:s4], $0x0  }
0x19: {  	s7 =	sld [smem:$0x3F99]  }
0x1a: {  	s8 =	sadd.s32 $0xFFFFE003, lr  }
0x1b: {  	s9 =	sadd.s32 $0xFFFFFEF7, lr;
	s5 =	simm.s32 $0xFFFFFFFF;
	p2 =	slt.u32 s8, $0xFFFFF086  }
0x1c: {  	p1 =	slt.u32 s9, $0xF7A;
	s5 =	simm.s32 @!p2 $0x0  }
0x1d: {  	s5 =	simm.s32 @p1 $0x1;
	p0 =	seq.s32 s7, s2  }
0x1e: {  	s7 =	smul.u32 @!p0 $0xF7A, s2;
	p2 =	seq.s32 @!p0 s5, $0x0  }
0x1f: {  	s9 =	smul.u32 $0xF7A, s1;
	s8 =	simm.s32 @!p0 $0x1BF5;
	p2 =	por !p2, p0  }
0x20: {  	[sflag:s8] =	ssyncset.s32 @!p0 $0xFFFFF086;
	s6 =	sadd.s32 @!p0 s3, s7;
	s7 =	simm.s32 @!p0 $0x108  }
0x21: {  	s3 =	sadd.s32 s3, s9;
	s6 =	sadd.s32 @!p0 $0x88, s6;
	s7 =	simm.s32 @p2 $0x1082  }
0x22: {  	[simem:s7], [sflag:s8] =	dma.local @!p0 [hbm:s6], $0xF7A  }
0x23: {  	s9 =	sor.u32 $0xD0000000, s2;
	s6 =	simm.s32 $0x108;
	_ =	swait.ge @!p0 [sflag:s8], $0x0  }
0x24: {  	s3 =	sadd.s32 $0x88, s3;
	s6 =	simm.s32 @!p1 $0x1082;
	[sflag:s4] =	ssyncset.s32 $0xFFFFF086  }
0x25: {  	[simem:s6], [sflag:s4] =	dma.local [hbm:s3], $0xF7A  }
0x26: {  	[smem:$0x3F99] =	sst s1;
	(tag) =	ssettag s2;
	_ =	strace s9  }
0x27: {  	s1 =	sld [smem:$0x3FA9]  }
0x28: {  	s2 =	sld [smem:$0x3FAA]  }
0x29: {  	s4 =	sld [smem:$0x3FAC]  }
0x2a: {  	p0 =	seq.s32 s5, $0x0;
	s5 =	sld [smem:$0x3FAD]  }
0x2b: {  	s6 =	sld [smem:$0x3FAE]  }
0x2c: {  	s7 =	sld [smem:$0x3FAF]  }
0x2d: {  	s3 =	simm.s32 $0x108;
	s8 =	sld [smem:$0x3FB0]  }
0x2e: {  	s3 =	simm.s32 @!p0 $0x1082;
	s9 =	sld [smem:$0x3FB1]  }
0x2f: {  	lr =	sadd.s32 s0, s3;
	s0 =	sld [smem:$0x3FA8]  }
0x30: {  	s3 =	sld [smem:$0x3FAB]  }
0x31: {  	[smem:$0x3FB4] =	sst s10  }
0x32: {  	s10 =	sld [smem:$0x3FB2];
	_ =	sdelay $0x3  }
0x33: {  	p0 =	seq.s32 s10, $0x1;
	s10 =	sld [smem:$0x3FB4];
	_ =	sdelay $0x3  }
0x34: {  	[smem:$0x3FB4] =	sst s10  }
0x35: {  	s10 =	sld [smem:$0x3FB3];
	_ =	sdelay $0x3  }
0x36: {  	p1 =	seq.s32 s10, $0x1;
	s10 =	sld [smem:$0x3FB4];
	_ =	sdelay $0x3  }
0x37: {  	[smem:$0x3FB4] =	sst s10  }
0x38: {  	s10 =	sld [smem:$0x3FB5]  }
0x39: {  	_ = 	snop;
	(pc) =	sbr.ind lr, $3  }
0x3a: {  	_ = 	snop  }
0x3b: {  	_ = 	snop  }
0x3c: {  	p2 =	seq.s32 s10, $0x1;
	s10 =	sld [smem:$0x3FB4]  }
0x3d: {  	_ =	shalt  }
0x3e: {  	_ =	shalt  }
0x3f: {  	_ =	shalt  }
0x40: {  	_ =	shalt  }
0x41: {  	_ =	shalt  }
0x42: {  	_ =	shalt  }
0x43: {  	_ =	shalt  }
0x44: {  	_ =	shalt  }
0x45: {  	_ =	shalt  }
0x46: {  	_ =	shalt  }
0x47: {  	_ =	shalt  }
0x48: {  	_ =	shalt  }
0x49: {  	_ =	shalt  }
0x4a: {  	_ =	shalt  }
0x4b: {  	_ =	shalt  }
0x4c: {  	_ =	shalt  }
0x4d: {  	_ =	shalt  }
0x4e: {  	_ =	shalt  }
0x4f: {  	_ =	shalt  }
0x50: {  	_ =	shalt  }
0x51: {  	_ =	shalt  }
0x52: {  	_ =	shalt  }
0x53: {  	_ =	shalt  }
0x54: {  	_ =	shalt  }
0x55: {  	_ =	shalt  }
0x56: {  	_ =	shalt  }
0x57: {  	_ =	shalt  }
0x58: {  	_ =	shalt  }
0x59: {  	_ =	shalt  }
0x5a: {  	_ =	shalt  }
0x5b: {  	_ =	shalt  }
0x5c: {  	_ =	shalt  }
0x5d: {  	_ =	shalt  }
0x5e: {  	_ =	shalt  }
0x5f: {  	_ =	shalt  }
0x60: {  	_ =	shalt  }
0x61: {  	_ =	shalt  }
0x62: {  	_ =	shalt  }
0x63: {  	_ =	shalt  }
0x64: {  	_ =	shalt  }
0x65: {  	_ =	shalt  }
0x66: {  	_ =	shalt  }
0x67: {  	_ =	shalt  }
0x68: {  	_ =	shalt  }
0x69: {  	_ =	shalt  }
0x6a: {  	_ =	shalt  }
0x6b: {  	_ =	shalt  }
0x6c: {  	_ =	shalt  }
0x6d: {  	_ =	shalt  }
0x6e: {  	_ =	shalt  }
0x6f: {  	_ =	shalt  }
0x70: {  	_ =	shalt  }
0x71: {  	_ =	shalt  }
0x72: {  	_ =	shalt  }
0x73: {  	_ =	shalt  }
0x74: {  	_ =	shalt  }
0x75: {  	_ =	shalt  }
0x76: {  	_ =	shalt  }
0x77: {  	_ =	shalt  }
0x78: {  	_ =	shalt  }
0x79: {  	_ =	shalt  }
0x7a: {  	_ =	shalt  }
0x7b: {  	_ =	shalt  }
0x7c: {  	_ =	shalt  }
0x7d: {  	_ =	shalt  }
0x7e: {  	_ =	shalt  }
0x7f: {  	_ =	shalt  }
0x80: {  	_ =	shalt  }
0x81: {  	_ =	shalt  }
0x82: {  	_ =	shalt  }
0x83: {  	_ =	shalt  }
0x84: {  	_ =	shalt  }
0x85: {  	_ =	shalt  }
0x86: {  	_ =	shalt  }
0x87: {  	_ =	shalt  }
.Lfunc_end0:
.L_simem_size_0:
called_computation.1_lowered:
.L_overlay_start_0:
0x88: {  	s2 =	sld [smem:$0x3FD9]  }
0x89: {  	s3 =	sld [smem:$0x3FFE];
	_ =	sdelay $0x1  }
0x8a: {  	s1 =	srdreg.scid  }
0x8b: {  	s0 =	sand.u32 $0x1, s1  }
0x8c: {  	s16 =	sshll.u32 s0, $0xA;
	s2 =	sadd.s32 s3, s2  }
0x8d: {  	s2 =	sadd.s32 s2, s16  }
0x8e: {  	[smem:$0x3FC0] =	sst s2  }
0x8f: {  	_ = 	snop  }
0x90: {  	(tm) =	ssettm $0x1  }
0x91: {  	s17 =	sld [smem:$0x3FFB];
	_ =	sdelay $0x3  }
0x92: {  	_ =	strace s17  }
0x93: {  	s2 =	sld [smem:$0x3FFC];
	_ =	sdelay $0x3  }
0x94: {  	_ =	strace s2  }
0x95: {  	s2 =	sld [smem:$0x3FFD];
	_ =	sdelay $0x3  }
0x96: {  	_ =	strace s2  }
0x97: {  	_ =	strace $0x8FFFFFFF  }
0x98: {  	s18 =	sld [smem:$0x3FDB];
	_ =	sdelay $0x1  }
0x99: {  	s19 =	simm.s32 $_scs_section_size  }
0x9a: {  	s4 =	simm.s32 $_size__tile_overlayer_lowered;
	s5 =	simm.s32 $_tile_overlayer_lowered  }
0x9b: {  	s22 =	simm.s32 $0x1BFF;
	s21 =	sshll.u32 s5, $0x1;
	s2 =	sadd.s32 s19, s18  }
0x9c: {  	s6 =	simm.s32 $0x0;
	s20 =	sshll.u32 s4, $0x1;
	s4 =	sadd.s32 s21, s2  }
0x9d: {  	[timem:s6], [sflag:s22] =	dma.local [hbm:s4], s20  }
0x9e: {  	_ =	swait.ge [sflag:s22], s20  }
0x9f: {  	s3 =	ssub.s32 $0x0, s20;
	[sflag:s22] =	ssyncset.done $0x0  }
0xa0: {  	[sflag:s22] =	ssyncadd.s32 s3;
	_ =	sdelay $0x1  }
0xa1: {  	s23 =	simm.s32 $0x1B8B  }
0xa2: {  	_ =	swait.ge [sflag:s23], $0x1  }
0xa3: {  	[sflag:s23] =	ssyncset.done $0x0  }
0xa4: {  	s25 =	simm.s32 $0x1B8E;
	s24 =	sld [smem:$0x3FFE];
	[sflag:s23] =	ssyncadd.s32 $0xFFFFFFFF  }
0xa5: {  	s26 =	simm.s32 $execute0_lowered;
	[smem:$0x3FD2] =	sst s25  }
0xa6: {  	s4 =	sshll.u32 s26, $0x1;
	_ =	strace $0x80000049;
	[dreg:$0x1] =	wrdreg $0xFFFFFFFF  }
0xa7: {  	s28 =	simm.s32 $_size_execute0_lowered;
	s2 =	sadd.s32 s2, s4;
	[dreg:$0x0] =	wrdreg $0x0  }
0xa8: {  	s4 =	sshll.u32 s28, $0x1;
	[dreg:$0x2] =	wrdreg s2  }
0xa9: {  	[dreg:$0x3] =	wrdreg s4  }
0xaa: {  	[dreg:$0x4] =	wrdreg $0xC0  }
0xab: {  	_ =	task [dreg:s6], $0x5FFFF  }
0xac: {  	[dreg:$0x1] =	wrdreg $0xFFFFFFFF  }
0xad: {  	[dreg:$0x0] =	wrdreg $0x60  }
0xae: {  	[dreg:$0x2] =	wrdreg s24  }
0xaf: {  	[dreg:$0x3] =	wrdreg $0xA8000  }
0xb0: {  	[dreg:$0x4] =	wrdreg $0x9  }
0xb1: {  	_ =	task.clear_ibuf [dreg:s6], $0x5FFFF;
	_ =	strace $0x90000049  }
0xb2: {  	s29 =	simm.s32 $0x9;
	_ =	strace $0x8000004B  }
0xb3: {  	_ =	swait.ge [sflag:s29], $0x1  }
0xb4: {  	[sflag:s29] =	ssyncadd.s32 $0xFFFFFFFF  }
0xb5: {  	_ =	strace $0x9000004B  }
0xb6: {  	_ =	sfence  }
0xb7: {  	s30 =	sld [smem:$0x0];
	_ =	sdelay $0x2  }
0xb8: {  	s31 =	sshll.u32 s1, $0xD;
	s1 =	sshrl.u32 s1, $0x2  }
0xb9: {  	s3 =	sand.u32 $0x4000, s31;
	s1 =	sadd.s32 s1, s30  }
0xba: {  	s0 =	sor.u32 s3, s0;
	s1 =	sshll.u32 s1, $0x11  }
0xbb: {  	s0 =	sor.u32 s1, s0  }
0xbc: {  	s0 =	sadd.s32 $0x8F2B, s0  }
0xbd: {  	[sflag:s0] =	ssyncadd.remote.s32 $0x1  }
0xbe: {  	_ =	sfence.sel $0xFFFF  }
0xbf: {  	[dreg:$0x0] =	wrdreg $0xFFFFFFFF;
	(pc) =	sbr.abs _section_cstart, $3  }
0xc0: {  	[dreg:$0x1] =	wrdreg $0xFFFFFFFF  }
0xc1: {  	_ =	task.clear_ibuf [dreg:s6], $0x2FFFF;
	_ =	strace $0x9FFFFFFF  }
0xc2: {  	(tm) =	ssettm $0x7FFFFFFF  }
0xc3: {  	_ =	shalt  }
tec
execute0_lowered:
.L_overlay_start_1:
0x0: {  	(tag) =	ssettag $0x1  }
0x1: {  	s5 =	rddreg [dreg:$0x0]  }
0x2: {  	s0 =	srdreg.scid;
	s2 =	rddreg [dreg:$0x1]  }
0x3: {  	s3 =	simm.s32 $0x0;
	s16 =	simm.s32 $0x2800;
	s17 =	simm.s32 $0x3  }
0x4: {  	s18 =	simm.s32 $0x80;
	s19 =	simm.s32 $0x1;
	s20 =	simm.s32 $0x6800  }
0x5: {  	s21 =	simm.s32 $0x2;
	s22 =	simm.s32 $0x2700;
	s23 =	simm.s32 $0x2680  }
0x6: {  	s24 =	simm.s32 $0x2780;
	s10 =	sand.u32 $0x1, s0;
	s0 =	stileid.u32  }
0x7: {  	s25 =	simm.s32 $0x0;
	[smem:$0x7FF] =	sst s3;
	s7 =	smul.u32 $0x50000, s0  }
0x8: {  	s1 =	sshll.u32 s10, $0x4;
	s8 =	smul.u32 $0x3E80, s0;
	s30 =	ssub.s32 $0x2, s10  }
0x9: {  	p1 =	slt.u32 s0, $0xA;
	p0 =	seq.s32 s10, $0x0;
	s11 =	smul.u32 $0x7D000, s0  }
0xa: {  	p2 =	seq.s32 s10, $0x1;
	s4 =	sor.u32 s0, s1;
	s1 =	rddreg [dreg:$0x2]  }
0xb: {  	_ =	strace $0x8000004A;
	s31 =	sshrl.u32 s30, $0x1;
	p0 =	por !p1, !p0  }
0xc: {  	p1 =	por !p1, !p2;
	s6 =	smul.u32 $0xA00, s4;
	s4 =	sadd.s32 $0x18600, s5  }
0xd: {  	s7 =	sshrl.u32 s7, $0x2;
	s12 =	sadd.s32 s8, s5;
	s13 =	ssub.s32 s30, s31  }
0xe: {  	p0 =	por !p0, !p0;
	s11 =	sshrl.u32 s11, $0x2;
	p1 =	por !p1, !p1  }
0xf: {  	s10 =	sadd.s32 s11, s2;
	s11 =	sadd.s32 $0x66A00, s12;
	s12 =	sadd.s32 $0x8DC00, s12  }
0x10: {  	s13 =	smax.u32 s13, $0x1;
	s15 =	sadd.s32 s6, s5;
	s5 =	sadd.s32 s7, s2  }
0x11: {  	s6 =	sadd.s32 $0x4000, s5;
	s7 =	sadd.s32 $0x8000, s5;
	s8 =	sadd.s32 $0xC000, s5  }
0x12: {  	v0 =	vimm.f32 $0.0e+00;
	s9 =	sadd.s32 $0x10000, s5;
	s14 =	sadd.s32 $0x4600, s15;
	s15 =	sadd.s32 $0x4B00, s15  }
.LBB2_1:
0x13: {  	s26 =	simm.s32 $0x0;
	s28 =	simm.s32 $0x200  }
.LBB2_2:
0x14: {  	p2 =	sne.s32 s28, $0xFE00;
	[tilespmem:s26+$0x2870] =	vst v0  }
0x15: {  	[tilespmem:s26+$0x2800] =	vst v0  }
0x16: {  	[tilespmem:s26+$0x2810] =	vst v0  }
.Ltmp0:
0x17: {  	[tilespmem:s26+$0x2820] =	vst v0;
	(pc) =	sbr.rel @p2 .LBB2_2-.Ltmp0, $4  }
0x18: {  	[tilespmem:s26+$0x2830] =	vst v0  }
0x19: {  	[tilespmem:s26+$0x2840] =	vst v0  }
0x1a: {  	[tilespmem:s26+$0x2850] =	vst v0  }
0x1b: {  	[tilespmem:s26+$0x2860] =	vst v0;
	s26 =	sshra.s32 s28, $0x2;
	s28 =	sadd.s32 $0x200, s28  }
0x1c: {  	[tilespmem:s26+$0x2870] =	vst v0  }
0x1d: {  	[tilespmem:s26+$0x2800] =	vst v0  }
0x1e: {  	[tilespmem:s26+$0x2810] =	vst v0  }
0x1f: {  	[tilespmem:s26+$0x2820] =	vst v0  }
0x20: {  	[tilespmem:s26+$0x2830] =	vst v0  }
0x21: {  	[tilespmem:s26+$0x2840] =	vst v0  }
0x22: {  	[tilespmem:s26+$0x2850] =	vst v0  }
0x23: {  	[tilespmem:s26+$0x2860] =	vst v0  }
0x24: {  	[spmem:s5] =	stream.linear.scatter [tilespmem:s16], [sflag:$0x3], $0x4000, $0x38;
	[tilespmem:$0x1E800] =	vst v63  }
0x25: {  	_ =	swait.ge [sflag:s17], $0x4000  }
0x26: {  	[sflag:s17] =	ssyncset.done $0x0  }
0x27: {  	[sflag:s17] =	ssyncadd.s32 $0xFFFFC000  }
0x28: {  	[spmem:s6] =	stream.linear.scatter [tilespmem:s16], [sflag:$0x3], $0x4000, $0x38;
	[tilespmem:$0x1E800] =	vst v63  }
0x29: {  	_ =	swait.ge [sflag:s17], $0x4000  }
0x2a: {  	[sflag:s17] =	ssyncset.done $0x0  }
0x2b: {  	[sflag:s17] =	ssyncadd.s32 $0xFFFFC000  }
0x2c: {  	[spmem:s7] =	stream.linear.scatter [tilespmem:s16], [sflag:$0x3], $0x4000, $0x38;
	[tilespmem:$0x1E800] =	vst v63  }
0x2d: {  	_ =	swait.ge [sflag:s17], $0x4000  }
0x2e: {  	[sflag:s17] =	ssyncset.done $0x0  }
0x2f: {  	[sflag:s17] =	ssyncadd.s32 $0xFFFFC000  }
0x30: {  	[spmem:s8] =	stream.linear.scatter [tilespmem:s16], [sflag:$0x3], $0x4000, $0x38;
	[tilespmem:$0x1E800] =	vst v63  }
0x31: {  	_ =	swait.ge [sflag:s17], $0x4000  }
0x32: {  	[sflag:s17] =	ssyncset.done $0x0  }
0x33: {  	[sflag:s17] =	ssyncadd.s32 $0xFFFFC000  }
0x34: {  	[spmem:s9] =	stream.linear.scatter [tilespmem:s16], [sflag:$0x3], $0x4000, $0x38;
	[tilespmem:$0x1E800] =	vst v63  }
0x35: {  	_ =	swait.ge [sflag:s17], $0x4000  }
0x36: {  	[sflag:s17] =	ssyncset.done $0x0  }
0x37: {  	[sflag:s17] =	ssyncadd.s32 $0xFFFFC000  }
0x38: {  	[bflag:$0x0] =	sbarrier.arrive $0xFFFF  }
0x39: {  	[tilespmem:s3], [sflag:$0x3] =	stream.linear.gather [hbm4b:s14+s3], $0x2800, $0x38;
	[tilespmem:$0x1E800] =	vst v63  }
0x3a: {  	_ =	swait.ge [sflag:s17], $0x2800  }
0x3b: {  	[sflag:s17] =	ssyncset.done $0x0  }
0x3c: {  	[sflag:s17] =	ssyncadd.s32 $0xFFFFD800  }
0x3d: {  	[tilespmem:s16], [sflag:$0x1] =	stream.indirect.gather [hbm4b:s4+s18], $0x80, s3, s18, $0xb8;
	[tilespmem:$0x1E800] =	vst v63  }
0x3e: {  	_ =	swait.ge [sflag:s19], $0x4000  }
0x3f: {  	[sflag:s19] =	ssyncset.done $0x0  }
0x40: {  	s28 =	simm.s32 $0x100;
	[sflag:s19] =	ssyncadd.s32 $0xFFFFC000  }
0x41: {  	[tilespmem:s20], [sflag:$0x2] =	stream.indirect.gather [hbm4b:s4+s18], $0x80, s28, s18, $0xb8;
	[tilespmem:$0x1E800] =	vst v63  }
0x42: {  	s29 =	simm.s32 $0x80  }
0x43: {  	[spmem:s2] =	stream.indirect.scatter.add.f32 [tilespmem:s16], [sflag:$0x3], $0x80, s29, s18, $0xb8;
	[tilespmem:$0x1E800] =	vst v63  }
0x44: {  	_ =	swait.ge [sflag:s17], $0x4000  }
0x45: {  	[sflag:s17] =	ssyncset.done $0x0  }
0x46: {  	[sflag:s17] =	ssyncadd.s32 $0xFFFFC000  }
0x47: {  	_ =	swait.ge [sflag:s21], $0x4000  }
0x48: {  	[sflag:s21] =	ssyncset.done $0x0  }
0x49: {  	s30 =	simm.s32 $0x200;
	[sflag:s21] =	ssyncadd.s32 $0xFFFFC000  }
0x4a: {  	[tilespmem:s16], [sflag:$0x1] =	stream.indirect.gather [hbm4b:s4+s18], $0x80, s30, s18, $0xb8;
	[tilespmem:$0x1E800] =	vst v63  }
0x4b: {  	s31 =	simm.s32 $0x180  }
0x4c: {  	[spmem:s2] =	stream.indirect.scatter.add.f32 [tilespmem:s20], [sflag:$0x3], $0x80, s31, s18, $0xb8;
	[tilespmem:$0x1E800] =	vst v63  }
0x4d: {  	_ =	swait.ge [sflag:s17], $0x4000  }
0x4e: {  	s26 =	simm.s32 $0xFFFF7000;
	[sflag:s17] =	ssyncset.done $0x0  }
.LBB2_4:
0x4f: {  	p2 =	sne.s32 s26, $0xFFFFF800  }
0x50: {  	[sflag:s17] =	ssyncadd.s32 $0xFFFFC000;
	s28 =	smov.u32 s26;
	s26 =	sadd.s32 $0x800, s26  }
0x51: {  	_ = 	snop  }
0x52: {  	_ =	swait.ge [sflag:s19], $0x4000  }
0x53: {  	s28 =	sshra.s32 s28, $0x2;
	[sflag:s19] =	ssyncset.done $0x0  }
0x54: {  	s29 =	sadd.s32 $0x2700, s28;
	[sflag:s19] =	ssyncadd.s32 $0xFFFFC000  }
0x55: {  	[tilespmem:s20], [sflag:$0x2] =	stream.indirect.gather [hbm4b:s4+s18], $0x80, s29, s18, $0xb8;
	[tilespmem:$0x1E800] =	vst v63  }
0x56: {  	s29 =	sadd.s32 $0x2680, s28  }
0x57: {  	[spmem:s2] =	stream.indirect.scatter.add.f32 [tilespmem:s16], [sflag:$0x3], $0x80, s29, s18, $0xb8;
	[tilespmem:$0x1E800] =	vst v63  }
0x58: {  	_ =	swait.ge [sflag:s17], $0x4000  }
0x59: {  	[sflag:s17] =	ssyncset.done $0x0  }
0x5a: {  	[sflag:s17] =	ssyncadd.s32 $0xFFFFC000  }
0x5b: {  	_ =	swait.ge [sflag:s21], $0x4000  }
0x5c: {  	[sflag:s21] =	ssyncset.done $0x0  }
0x5d: {  	s29 =	sadd.s32 $0x2800, s28;
	[sflag:s21] =	ssyncadd.s32 $0xFFFFC000  }
0x5e: {  	[tilespmem:s16], [sflag:$0x1] =	stream.indirect.gather [hbm4b:s4+s18], $0x80, s29, s18, $0xb8;
	[tilespmem:$0x1E800] =	vst v63  }
.Ltmp1:
0x5f: {  	_ = 	snop;
	(pc) =	sbr.rel @p2 .LBB2_4-.Ltmp1, $4  }
0x60: {  	s28 =	sadd.s32 $0x2780, s28  }
0x61: {  	[spmem:s2] =	stream.indirect.scatter.add.f32 [tilespmem:s20], [sflag:$0x3], $0x80, s28, s18, $0xb8;
	[tilespmem:$0x1E800] =	vst v63  }
0x62: {  	_ =	swait.ge [sflag:s17], $0x4000  }
0x63: {  	[sflag:s17] =	ssyncset.done $0x0  }
0x64: {  	[sflag:s17] =	ssyncadd.s32 $0xFFFFC000  }
0x65: {  	_ =	swait.ge [sflag:s19], $0x4000  }
0x66: {  	[sflag:s19] =	ssyncset.done $0x0  }
0x67: {  	[sflag:s19] =	ssyncadd.s32 $0xFFFFC000  }
0x68: {  	[tilespmem:s20], [sflag:$0x2] =	stream.indirect.gather [hbm4b:s4+s18], $0x80, s22, s18, $0xb8;
	[tilespmem:$0x1E800] =	vst v63  }
0x69: {  	_ = 	snop  }
0x6a: {  	[spmem:s2] =	stream.indirect.scatter.add.f32 [tilespmem:s16], [sflag:$0x3], $0x80, s23, s18, $0xb8;
	[tilespmem:$0x1E800] =	vst v63  }
0x6b: {  	_ =	swait.ge [sflag:s17], $0x4000  }
0x6c: {  	[sflag:s17] =	ssyncset.done $0x0  }
0x6d: {  	[sflag:s17] =	ssyncadd.s32 $0xFFFFC000  }
0x6e: {  	_ =	swait.ge [sflag:s21], $0x4000  }
0x6f: {  	[sflag:s21] =	ssyncset.done $0x0  }
0x70: {  	[sflag:s21] =	ssyncadd.s32 $0xFFFFC000  }
0x71: {  	[spmem:s2] =	stream.indirect.scatter.add.f32 [tilespmem:s20], [sflag:$0x3], $0x80, s24, s18, $0xb8;
	[tilespmem:$0x1E800] =	vst v63  }
0x72: {  	_ =	swait.ge [sflag:s17], $0x4000  }
0x73: {  	[sflag:s17] =	ssyncset.done $0x0  }
0x74: {  	[sflag:s17] =	ssyncadd.s32 $0xFFFFC000  }
0x75: {  	[tilespmem:s3], [sflag:$0x3] =	stream.linear.gather [hbm4b:s15+s3], $0x2800, $0x38;
	[tilespmem:$0x1E800] =	vst v63  }
0x76: {  	_ =	swait.ge [sflag:s17], $0x2800  }
0x77: {  	[sflag:s17] =	ssyncset.done $0x0  }
0x78: {  	[sflag:s17] =	ssyncadd.s32 $0xFFFFD800  }
0x79: {  	[tilespmem:s16], [sflag:$0x1] =	stream.indirect.gather [hbm4b:s4+s18], $0x80, s3, s18, $0xb8;
	[tilespmem:$0x1E800] =	vst v63  }
0x7a: {  	_ =	swait.ge [sflag:s19], $0x4000  }
0x7b: {  	[sflag:s19] =	ssyncset.done $0x0  }
0x7c: {  	s26 =	simm.s32 $0x100;
	[sflag:s19] =	ssyncadd.s32 $0xFFFFC000  }
0x7d: {  	[tilespmem:s20], [sflag:$0x2] =	stream.indirect.gather [hbm4b:s4+s18], $0x80, s26, s18, $0xb8;
	[tilespmem:$0x1E800] =	vst v63  }
0x7e: {  	s29 =	simm.s32 $0x80  }
0x7f: {  	[spmem:s2] =	stream.indirect.scatter.add.f32 [tilespmem:s16], [sflag:$0x3], $0x80, s29, s18, $0xb8;
	[tilespmem:$0x1E800] =	vst v63  }
0x80: {  	_ =	swait.ge [sflag:s17], $0x4000  }
0x81: {  	[sflag:s17] =	ssyncset.done $0x0  }
0x82: {  	[sflag:s17] =	ssyncadd.s32 $0xFFFFC000  }
0x83: {  	_ =	swait.ge [sflag:s21], $0x4000  }
0x84: {  	[sflag:s21] =	ssyncset.done $0x0  }
0x85: {  	s30 =	simm.s32 $0x200;
	[sflag:s21] =	ssyncadd.s32 $0xFFFFC000  }
0x86: {  	[tilespmem:s16], [sflag:$0x1] =	stream.indirect.gather [hbm4b:s4+s18], $0x80, s30, s18, $0xb8;
	[tilespmem:$0x1E800] =	vst v63  }
0x87: {  	s31 =	simm.s32 $0x180  }
0x88: {  	[spmem:s2] =	stream.indirect.scatter.add.f32 [tilespmem:s20], [sflag:$0x3], $0x80, s31, s18, $0xb8;
	[tilespmem:$0x1E800] =	vst v63  }
0x89: {  	_ =	swait.ge [sflag:s17], $0x4000  }
0x8a: {  	s26 =	simm.s32 $0xFFFF7000;
	[sflag:s17] =	ssyncset.done $0x0  }
.LBB2_6:
0x8b: {  	p2 =	sne.s32 s26, $0xFFFFF800  }
0x8c: {  	[sflag:s17] =	ssyncadd.s32 $0xFFFFC000;
	s28 =	smov.u32 s26;
	s26 =	sadd.s32 $0x800, s26  }
0x8d: {  	_ = 	snop  }
0x8e: {  	_ =	swait.ge [sflag:s19], $0x4000  }
0x8f: {  	s28 =	sshra.s32 s28, $0x2;
	[sflag:s19] =	ssyncset.done $0x0  }
0x90: {  	s29 =	sadd.s32 $0x2700, s28;
	[sflag:s19] =	ssyncadd.s32 $0xFFFFC000  }
0x91: {  	[tilespmem:s20], [sflag:$0x2] =	stream.indirect.gather [hbm4b:s4+s18], $0x80, s29, s18, $0xb8;
	[tilespmem:$0x1E800] =	vst v63  }
0x92: {  	s29 =	sadd.s32 $0x2680, s28  }
0x93: {  	[spmem:s2] =	stream.indirect.scatter.add.f32 [tilespmem:s16], [sflag:$0x3], $0x80, s29, s18, $0xb8;
	[tilespmem:$0x1E800] =	vst v63  }
0x94: {  	_ =	swait.ge [sflag:s17], $0x4000  }
0x95: {  	[sflag:s17] =	ssyncset.done $0x0  }
0x96: {  	[sflag:s17] =	ssyncadd.s32 $0xFFFFC000  }
0x97: {  	_ =	swait.ge [sflag:s21], $0x4000  }
0x98: {  	[sflag:s21] =	ssyncset.done $0x0  }
0x99: {  	s29 =	sadd.s32 $0x2800, s28;
	[sflag:s21] =	ssyncadd.s32 $0xFFFFC000  }
0x9a: {  	[tilespmem:s16], [sflag:$0x1] =	stream.indirect.gather [hbm4b:s4+s18], $0x80, s29, s18, $0xb8;
	[tilespmem:$0x1E800] =	vst v63  }
.Ltmp2:
0x9b: {  	_ = 	snop;
	(pc) =	sbr.rel @p2 .LBB2_6-.Ltmp2, $4  }
0x9c: {  	s28 =	sadd.s32 $0x2780, s28  }
0x9d: {  	[spmem:s2] =	stream.indirect.scatter.add.f32 [tilespmem:s20], [sflag:$0x3], $0x80, s28, s18, $0xb8;
	[tilespmem:$0x1E800] =	vst v63  }
0x9e: {  	_ =	swait.ge [sflag:s17], $0x4000  }
0x9f: {  	[sflag:s17] =	ssyncset.done $0x0  }
0xa0: {  	[sflag:s17] =	ssyncadd.s32 $0xFFFFC000  }
0xa1: {  	_ =	swait.ge [sflag:s19], $0x4000  }
0xa2: {  	[sflag:s19] =	ssyncset.done $0x0  }
0xa3: {  	[sflag:s19] =	ssyncadd.s32 $0xFFFFC000  }
0xa4: {  	[tilespmem:s20], [sflag:$0x2] =	stream.indirect.gather [hbm4b:s4+s18], $0x80, s22, s18, $0xb8;
	[tilespmem:$0x1E800] =	vst v63  }
0xa5: {  	_ = 	snop  }
0xa6: {  	[spmem:s2] =	stream.indirect.scatter.add.f32 [tilespmem:s16], [sflag:$0x3], $0x80, s23, s18, $0xb8;
	[tilespmem:$0x1E800] =	vst v63  }
0xa7: {  	_ =	swait.ge [sflag:s17], $0x4000  }
0xa8: {  	[sflag:s17] =	ssyncset.done $0x0  }
0xa9: {  	[sflag:s17] =	ssyncadd.s32 $0xFFFFC000  }
0xaa: {  	_ =	swait.ge [sflag:s21], $0x4000  }
0xab: {  	[sflag:s21] =	ssyncset.done $0x0  }
0xac: {  	[sflag:s21] =	ssyncadd.s32 $0xFFFFC000  }
0xad: {  	[spmem:s2] =	stream.indirect.scatter.add.f32 [tilespmem:s20], [sflag:$0x3], $0x80, s24, s18, $0xb8;
	[tilespmem:$0x1E800] =	vst v63  }
0xae: {  	_ =	swait.ge [sflag:s17], $0x4000  }
0xaf: {  	[sflag:s17] =	ssyncset.done $0x0  }
0xb0: {  	s26 =	sshll.u32 @p0 s0, $0x6;
	[sflag:s17] =	ssyncadd.s32 $0xFFFFC000  }
0xb1: {  	s28 =	sshrl.u32 @p0 s10, $0x3;
	s26 =	sor.u32 @p0 $0x1C03, s26;
	[bflag:$0x0] =	sbarrier.arrive $0xFFFF  }
0xb2: {  	[hbm:s11], [sflag:s26] =	dma.local @p0 [spmem:s28], $0x3E80  }
0xb3: {  	s26 =	simm.s32 @p0 $0x3  }
0xb4: {  	s25 =	sadd.s32 $0x1, s25;
	_ =	swait.ge @p0 [sflag:s26], $0x3E80  }
0xb5: {  	p2 =	sne.s32 s25, s13;
	s28 =	sshll.u32 @p1 s0, $0x6;
	[sflag:s26] =	ssyncset.done @p0 $0x0  }
0xb6: {  	[sflag:s26] =	ssyncadd.s32 @p0 $0xFFFFC180;
	s26 =	sor.u32 @p1 $0x1C03, s28;
	s28 =	sshrl.u32 @p1 s10, $0x3  }
0xb7: {  	[hbm:s12], [sflag:s26] =	dma.local @p1 [spmem:s28], $0x3E80  }
.Ltmp3:
0xb8: {  	_ = 	snop;
	(pc) =	sbr.rel @p2 .LBB2_1-.Ltmp3, $4  }
0xb9: {  	s26 =	simm.s32 @p1 $0x3  }
0xba: {  	_ =	swait.ge @p1 [sflag:s26], $0x3E80  }
0xbb: {  	[sflag:s26] =	ssyncset.done @p1 $0x0  }
0xbc: {  	[sflag:s26] =	ssyncadd.s32 @p1 $0xFFFFC180  }
0xbd: {  	_ =	sfence.sel $0x180000  }
0xbe: {  	[bflag:$0x0] =	sbarrier.arrive $0xFFFF  }
0xbf: {  	p0 =	sne.s32 s0, $0x0;
	_ =	strace $0x9000004A  }
0xc0: {  	s0 =	sadd.s32 @!p0 $0x100000, s1;
	[bflag:$0x2] =	sbarrier.arrive $0xFFFF  }
0xc1: {  	[sflag:s0] =	ssyncadd.tile.s32 @!p0 $0x1;
	_ =	shalt  }
.Lfunc_end2:
_tile_overlayer_lowered:
.L_overlay_start_2:
0xc2: {  	(tag) =	ssettag $0x2  }
0xc3: {  	s0 =	rddreg [dreg:$0x0];
	s2 =	stileid.u32  }
0xc4: {  	s1 =	rddreg [dreg:$0x1];
	p0 =	sne.s32 s2, $0x0  }
0xc5: {  	s3 =	rddreg [dreg:$0x2];
	[bflag:$0x3] =	sbarrier.arrive $0xFFFF;
	s2 =	simm.s32 @!p0 $0x1C03  }
0xc6: {  	[timem:s3], [sflag:s2] =	dma.local @!p0 [hbm:s0], s1  }
0xc7: {  	s0 =	simm.s32 @!p0 $0x3  }
0xc8: {  	_ =	swait.ge @!p0 [sflag:s0], s1  }
0xc9: {  	s1 =	ssub.s32 @!p0 $0x0, s1;
	[sflag:s0] =	ssyncset.done @!p0 $0x0  }
0xca: {  	[sflag:s0] =	ssyncadd.s32 @!p0 s1  }
0xcb: {  	[bflag:$0x3] =	sbarrier.arrive $0xFFFF  }
0xcc: {  	_ =	shalt  }

// kernel: kernel.15.cloned.1.call-start
scs
__scs_entry_jumppad:
0x0: {  	(pc) =	sbr.rel $0x88, $3  }
0x1: {  	(tag) =	ssettag $0x0;
	lr =	simm.s32 $0x1  }
0x2: {  	[smem:$0x3F99] =	sst lr;
	_ =	strace $0xD0000000  }
0x3: {  	_ = 	snop  }
0x4: {  	_ = 	snop  }
0x5: {  	_ = 	snop  }
0x6: {  	_ = 	snop  }
0x7: {  	_ = 	snop  }
__scs_overlays_trampoline_lowered:
0x8: {  	[smem:$0x3FA8] =	sst s0  }
0x9: {  	[smem:$0x3FA9] =	sst s1  }
0xa: {  	[smem:$0x3FAA] =	sst s2  }
0xb: {  	[smem:$0x3FAB] =	sst s3  }
0xc: {  	[smem:$0x3FAC] =	sst s4  }
0xd: {  	[smem:$0x3FAD] =	sst s5  }
0xe: {  	[smem:$0x3FAE] =	sst s6  }
0xf: {  	[smem:$0x3FAF] =	sst s7  }
0x10: {  	[smem:$0x3FB0] =	sst s8  }
0x11: {  	[smem:$0x3FB1] =	sst s9;
	s0 =	simm.s32 @!p0 $0x0  }
0x12: {  	s1 =	sld [smem:$0x3F97];
	s0 =	simm.s32 @p0 $0x1  }
0x13: {  	[smem:$0x3FB2] =	sst s0;
	s0 =	simm.s32 @!p1 $0x0  }
0x14: {  	s2 =	sld [smem:$0x3F96];
	s0 =	simm.s32 @p1 $0x1  }
0x15: {  	[smem:$0x3FB3] =	sst s0;
	s0 =	simm.s32 @!p2 $0x0  }
0x16: {  	s3 =	sld [smem:$0x3FDB];
	s0 =	simm.s32 @p2 $0x1  }
0x17: {  	s4 =	simm.s32 $0x1BF5;
	[smem:$0x3FB5] =	sst s0  }
0x18: {  	s0 =	sld [smem:$0x3F98];
	_ =	swait.ge [sflag:s4], $0x0  }
0x19: {  	s7 =	sld [smem:$0x3F99]  }
0x1a: {  	s8 =	sadd.s32 $0xFFFFE003, lr  }
0x1b: {  	s9 =	sadd.s32 $0xFFFFFEF7, lr;
	s5 =	simm.s32 $0xFFFFFFFF;
	p2 =	slt.u32 s8, $0xFFFFF086  }
0x1c: {  	p1 =	slt.u32 s9, $0xF7A;
	s5 =	simm.s32 @!p2 $0x0  }
0x1d: {  	s5 =	simm.s32 @p1 $0x1;
	p0 =	seq.s32 s7, s2  }
0x1e: {  	s7 =	smul.u32 @!p0 $0xF7A, s2;
	p2 =	seq.s32 @!p0 s5, $0x0  }
0x1f: {  	s9 =	smul.u32 $0xF7A, s1;
	s8 =	simm.s32 @!p0 $0x1BF5;
	p2 =	por !p2, p0  }
0x20: {  	[sflag:s8] =	ssyncset.s32 @!p0 $0xFFFFF086;
	s6 =	sadd.s32 @!p0 s3, s7;
	s7 =	simm.s32 @!p0 $0x108  }
0x21: {  	s3 =	sadd.s32 s3, s9;
	s6 =	sadd.s32 @!p0 $0x88, s6;
	s7 =	simm.s32 @p2 $0x1082  }
0x22: {  	[simem:s7], [sflag:s8] =	dma.local @!p0 [hbm:s6], $0xF7A  }
0x23: {  	s9 =	sor.u32 $0xD0000000, s2;
	s6 =	simm.s32 $0x108;
	_ =	swait.ge @!p0 [sflag:s8], $0x0  }
0x24: {  	s3 =	sadd.s32 $0x88, s3;
	s6 =	simm.s32 @!p1 $0x1082;
	[sflag:s4] =	ssyncset.s32 $0xFFFFF086  }
0x25: {  	[simem:s6], [sflag:s4] =	dma.local [hbm:s3], $0xF7A  }
0x26: {  	[smem:$0x3F99] =	sst s1;
	(tag) =	ssettag s2;
	_ =	strace s9  }
0x27: {  	s1 =	sld [smem:$0x3FA9]  }
0x28: {  	s2 =	sld [smem:$0x3FAA]  }
0x29: {  	s4 =	sld [smem:$0x3FAC]  }
0x2a: {  	p0 =	seq.s32 s5, $0x0;
	s5 =	sld [smem:$0x3FAD]  }
0x2b: {  	s6 =	sld [smem:$0x3FAE]  }
0x2c: {  	s7 =	sld [smem:$0x3FAF]  }
0x2d: {  	s3 =	simm.s32 $0x108;
	s8 =	sld [smem:$0x3FB0]  }
0x2e: {  	s3 =	simm.s32 @!p0 $0x1082;
	s9 =	sld [smem:$0x3FB1]  }
0x2f: {  	lr =	sadd.s32 s0, s3;
	s0 =	sld [smem:$0x3FA8]  }
0x30: {  	s3 =	sld [smem:$0x3FAB]  }
0x31: {  	[smem:$0x3FB4] =	sst s10  }
0x32: {  	s10 =	sld [smem:$0x3FB2];
	_ =	sdelay $0x3  }
0x33: {  	p0 =	seq.s32 s10, $0x1;
	s10 =	sld [smem:$0x3FB4];
	_ =	sdelay $0x3  }
0x34: {  	[smem:$0x3FB4] =	sst s10  }
0x35: {  	s10 =	sld [smem:$0x3FB3];
	_ =	sdelay $0x3  }
0x36: {  	p1 =	seq.s32 s10, $0x1;
	s10 =	sld [smem:$0x3FB4];
	_ =	sdelay $0x3  }
0x37: {  	[smem:$0x3FB4] =	sst s10  }
0x38: {  	s10 =	sld [smem:$0x3FB5]  }
0x39: {  	_ = 	snop;
	(pc) =	sbr.ind lr, $3  }
0x3a: {  	_ = 	snop  }
0x3b: {  	_ = 	snop  }
0x3c: {  	p2 =	seq.s32 s10, $0x1;
	s10 =	sld [smem:$0x3FB4]  }
0x3d: {  	_ =	shalt  }
0x3e: {  	_ =	shalt  }
0x3f: {  	_ =	shalt  }
0x40: {  	_ =	shalt  }
0x41: {  	_ =	shalt  }
0x42: {  	_ =	shalt  }
0x43: {  	_ =	shalt  }
0x44: {  	_ =	shalt  }
0x45: {  	_ =	shalt  }
0x46: {  	_ =	shalt  }
0x47: {  	_ =	shalt  }
0x48: {  	_ =	shalt  }
0x49: {  	_ =	shalt  }
0x4a: {  	_ =	shalt  }
0x4b: {  	_ =	shalt  }
0x4c: {  	_ =	shalt  }
0x4d: {  	_ =	shalt  }
0x4e: {  	_ =	shalt  }
0x4f: {  	_ =	shalt  }
0x50: {  	_ =	shalt  }
0x51: {  	_ =	shalt  }
0x52: {  	_ =	shalt  }
0x53: {  	_ =	shalt  }
0x54: {  	_ =	shalt  }
0x55: {  	_ =	shalt  }
0x56: {  	_ =	shalt  }
0x57: {  	_ =	shalt  }
0x58: {  	_ =	shalt  }
0x59: {  	_ =	shalt  }
0x5a: {  	_ =	shalt  }
0x5b: {  	_ =	shalt  }
0x5c: {  	_ =	shalt  }
0x5d: {  	_ =	shalt  }
0x5e: {  	_ =	shalt  }
0x5f: {  	_ =	shalt  }
0x60: {  	_ =	shalt  }
0x61: {  	_ =	shalt  }
0x62: {  	_ =	shalt  }
0x63: {  	_ =	shalt  }
0x64: {  	_ =	shalt  }
0x65: {  	_ =	shalt  }
0x66: {  	_ =	shalt  }
0x67: {  	_ =	shalt  }
0x68: {  	_ =	shalt  }
0x69: {  	_ =	shalt  }
0x6a: {  	_ =	shalt  }
0x6b: {  	_ =	shalt  }
0x6c: {  	_ =	shalt  }
0x6d: {  	_ =	shalt  }
0x6e: {  	_ =	shalt  }
0x6f: {  	_ =	shalt  }
0x70: {  	_ =	shalt  }
0x71: {  	_ =	shalt  }
0x72: {  	_ =	shalt  }
0x73: {  	_ =	shalt  }
0x74: {  	_ =	shalt  }
0x75: {  	_ =	shalt  }
0x76: {  	_ =	shalt  }
0x77: {  	_ =	shalt  }
0x78: {  	_ =	shalt  }
0x79: {  	_ =	shalt  }
0x7a: {  	_ =	shalt  }
0x7b: {  	_ =	shalt  }
0x7c: {  	_ =	shalt  }
0x7d: {  	_ =	shalt  }
0x7e: {  	_ =	shalt  }
0x7f: {  	_ =	shalt  }
0x80: {  	_ =	shalt  }
0x81: {  	_ =	shalt  }
0x82: {  	_ =	shalt  }
0x83: {  	_ =	shalt  }
0x84: {  	_ =	shalt  }
0x85: {  	_ =	shalt  }
0x86: {  	_ =	shalt  }
0x87: {  	_ =	shalt  }
.Lfunc_end0:
.L_simem_size_0:
called_computation.2_lowered:
.L_overlay_start_0:
0x88: {  	s2 =	sld [smem:$0x3FD9]  }
0x89: {  	s3 =	sld [smem:$0x3FFE];
	_ =	sdelay $0x1  }
0x8a: {  	s1 =	srdreg.scid  }
0x8b: {  	s0 =	sand.u32 $0x1, s1  }
0x8c: {  	s16 =	sshll.u32 s0, $0xA;
	s2 =	sadd.s32 s3, s2  }
0x8d: {  	s2 =	sadd.s32 s2, s16  }
0x8e: {  	[smem:$0x3FC0] =	sst s2  }
0x8f: {  	_ = 	snop  }
0x90: {  	(tm) =	ssettm $0x1  }
0x91: {  	s17 =	sld [smem:$0x3FFB];
	_ =	sdelay $0x3  }
0x92: {  	_ =	strace s17  }
0x93: {  	s2 =	sld [smem:$0x3FFC];
	_ =	sdelay $0x3  }
0x94: {  	_ =	strace s2  }
0x95: {  	s2 =	sld [smem:$0x3FFD];
	_ =	sdelay $0x3  }
0x96: {  	_ =	strace s2  }
0x97: {  	_ =	strace $0x8FFFFFFF  }
0x98: {  	s18 =	sld [smem:$0x3FDB];
	_ =	sdelay $0x1  }
0x99: {  	s19 =	simm.s32 $_scs_section_size  }
0x9a: {  	s4 =	simm.s32 $_size__tile_overlayer_lowered;
	s5 =	simm.s32 $_tile_overlayer_lowered  }
0x9b: {  	s22 =	simm.s32 $0x1BFF;
	s21 =	sshll.u32 s5, $0x1;
	s2 =	sadd.s32 s19, s18  }
0x9c: {  	s6 =	simm.s32 $0x0;
	s20 =	sshll.u32 s4, $0x1;
	s4 =	sadd.s32 s21, s2  }
0x9d: {  	[timem:s6], [sflag:s22] =	dma.local [hbm:s4], s20  }
0x9e: {  	_ =	swait.ge [sflag:s22], s20  }
0x9f: {  	s3 =	ssub.s32 $0x0, s20;
	[sflag:s22] =	ssyncset.done $0x0  }
0xa0: {  	[sflag:s22] =	ssyncadd.s32 s3;
	_ =	sdelay $0x1  }
0xa1: {  	s23 =	simm.s32 $0x1B8B  }
0xa2: {  	_ =	swait.ge [sflag:s23], $0x1  }
0xa3: {  	[sflag:s23] =	ssyncset.done $0x0  }
0xa4: {  	s25 =	simm.s32 $0x1B8E;
	s24 =	sld [smem:$0x3FFE];
	[sflag:s23] =	ssyncadd.s32 $0xFFFFFFFF  }
0xa5: {  	s26 =	simm.s32 $execute0_lowered;
	[smem:$0x3FD2] =	sst s25  }
0xa6: {  	s4 =	sshll.u32 s26, $0x1;
	_ =	strace $0x8000004C;
	[dreg:$0x1] =	wrdreg $0xFFFFFFFF  }
0xa7: {  	s28 =	simm.s32 $_size_execute0_lowered;
	s2 =	sadd.s32 s2, s4;
	[dreg:$0x0] =	wrdreg $0x0  }
0xa8: {  	s4 =	sshll.u32 s28, $0x1;
	[dreg:$0x2] =	wrdreg s2  }
0xa9: {  	[dreg:$0x3] =	wrdreg s4  }
0xaa: {  	[dreg:$0x4] =	wrdreg $0xC0  }
0xab: {  	_ =	task [dreg:s6], $0x5FFFF  }
0xac: {  	[dreg:$0x1] =	wrdreg $0xFFFFFFFF  }
0xad: {  	[dreg:$0x0] =	wrdreg $0x60  }
0xae: {  	[dreg:$0x2] =	wrdreg s24  }
0xaf: {  	[dreg:$0x3] =	wrdreg $0xA8000  }
0xb0: {  	[dreg:$0x4] =	wrdreg $0x9  }
0xb1: {  	_ =	task.clear_ibuf [dreg:s6], $0x5FFFF;
	_ =	strace $0x9000004C  }
0xb2: {  	s29 =	simm.s32 $0x9;
	_ =	strace $0x8000004E  }
0xb3: {  	_ =	swait.ge [sflag:s29], $0x1  }
0xb4: {  	[sflag:s29] =	ssyncadd.s32 $0xFFFFFFFF  }
0xb5: {  	_ =	strace $0x9000004E  }
0xb6: {  	_ =	sfence  }
0xb7: {  	s30 =	sld [smem:$0x0];
	_ =	sdelay $0x2  }
0xb8: {  	s31 =	sshll.u32 s1, $0xD;
	s1 =	sshrl.u32 s1, $0x2  }
0xb9: {  	s3 =	sand.u32 $0x4000, s31;
	s1 =	sadd.s32 s1, s30  }
0xba: {  	s0 =	sor.u32 s3, s0;
	s1 =	sshll.u32 s1, $0x11  }
0xbb: {  	s0 =	sor.u32 s1, s0  }
0xbc: {  	s0 =	sadd.s32 $0x8F2B, s0  }
0xbd: {  	[sflag:s0] =	ssyncadd.remote.s32 $0x1  }
0xbe: {  	_ =	sfence.sel $0xFFFF  }
0xbf: {  	[dreg:$0x0] =	wrdreg $0xFFFFFFFF;
	(pc) =	sbr.abs _section_cstart, $3  }
0xc0: {  	[dreg:$0x1] =	wrdreg $0xFFFFFFFF  }
0xc1: {  	_ =	task.clear_ibuf [dreg:s6], $0x2FFFF;
	_ =	strace $0x9FFFFFFF  }
0xc2: {  	(tm) =	ssettm $0x7FFFFFFF  }
0xc3: {  	_ =	shalt  }
tec
execute0_lowered:
.L_overlay_start_1:
0x0: {  	(tag) =	ssettag $0x1  }
0x1: {  	s5 =	rddreg [dreg:$0x0]  }
0x2: {  	s0 =	srdreg.scid;
	s2 =	rddreg [dreg:$0x1]  }
0x3: {  	s3 =	simm.s32 $0x0;
	s16 =	simm.s32 $0x2800;
	s17 =	simm.s32 $0x3  }
0x4: {  	s18 =	simm.s32 $0x80;
	s19 =	simm.s32 $0x1;
	s20 =	simm.s32 $0x6800  }
0x5: {  	s21 =	simm.s32 $0x2;
	s22 =	simm.s32 $0x2700;
	s23 =	simm.s32 $0x2680  }
0x6: {  	s24 =	simm.s32 $0x2780;
	s10 =	sand.u32 $0x1, s0;
	s0 =	stileid.u32  }
0x7: {  	s25 =	simm.s32 $0x0;
	[smem:$0x7FF] =	sst s3;
	s7 =	smul.u32 $0x50000, s0  }
0x8: {  	s1 =	sshll.u32 s10, $0x4;
	s8 =	smul.u32 $0x3E80, s0;
	s30 =	ssub.s32 $0x2, s10  }
0x9: {  	p1 =	slt.u32 s0, $0xA;
	p0 =	seq.s32 s10, $0x0;
	s11 =	smul.u32 $0x7D000, s0  }
0xa: {  	p2 =	seq.s32 s10, $0x1;
	s4 =	sor.u32 s0, s1;
	s1 =	rddreg [dreg:$0x2]  }
0xb: {  	_ =	strace $0x8000004D;
	s31 =	sshrl.u32 s30, $0x1;
	p0 =	por !p1, !p0  }
0xc: {  	p1 =	por !p1, !p2;
	s6 =	smul.u32 $0xA00, s4;
	s4 =	sadd.s32 $0x18600, s5  }
0xd: {  	s7 =	sshrl.u32 s7, $0x2;
	s12 =	sadd.s32 s8, s5;
	s13 =	ssub.s32 s30, s31  }
0xe: {  	p0 =	por !p0, !p0;
	s11 =	sshrl.u32 s11, $0x2;
	p1 =	por !p1, !p1  }
0xf: {  	s10 =	sadd.s32 s11, s2;
	s11 =	sadd.s32 $0x66A00, s12;
	s12 =	sadd.s32 $0x8DC00, s12  }
0x10: {  	s13 =	smax.u32 s13, $0x1;
	s15 =	sadd.s32 s6, s5;
	s5 =	sadd.s32 s7, s2  }
0x11: {  	s6 =	sadd.s32 $0x4000, s5;
	s7 =	sadd.s32 $0x8000, s5;
	s8 =	sadd.s32 $0xC000, s5  }
0x12: {  	v0 =	vimm.f32 $0.0e+00;
	s9 =	sadd.s32 $0x10000, s5;
	s14 =	sadd.s32 $0x4600, s15;
	s15 =	sadd.s32 $0x4B00, s15  }
.LBB2_1:
0x13: {  	s26 =	simm.s32 $0x0;
	s28 =	simm.s32 $0x200  }
.LBB2_2:
0x14: {  	p2 =	sne.s32 s28, $0xFE00;
	[tilespmem:s26+$0x2870] =	vst v0  }
0x15: {  	[tilespmem:s26+$0x2800] =	vst v0  }
0x16: {  	[tilespmem:s26+$0x2810] =	vst v0  }
.Ltmp0:
0x17: {  	[tilespmem:s26+$0x2820] =	vst v0;
	(pc) =	sbr.rel @p2 .LBB2_2-.Ltmp0, $4  }
0x18: {  	[tilespmem:s26+$0x2830] =	vst v0  }
0x19: {  	[tilespmem:s26+$0x2840] =	vst v0  }
0x1a: {  	[tilespmem:s26+$0x2850] =	vst v0  }
0x1b: {  	[tilespmem:s26+$0x2860] =	vst v0;
	s26 =	sshra.s32 s28, $0x2;
	s28 =	sadd.s32 $0x200, s28  }
0x1c: {  	[tilespmem:s26+$0x2870] =	vst v0  }
0x1d: {  	[tilespmem:s26+$0x2800] =	vst v0  }
0x1e: {  	[tilespmem:s26+$0x2810] =	vst v0  }
0x1f: {  	[tilespmem:s26+$0x2820] =	vst v0  }
0x20: {  	[tilespmem:s26+$0x2830] =	vst v0  }
0x21: {  	[tilespmem:s26+$0x2840] =	vst v0  }
0x22: {  	[tilespmem:s26+$0x2850] =	vst v0  }
0x23: {  	[tilespmem:s26+$0x2860] =	vst v0  }
0x24: {  	[spmem:s5] =	stream.linear.scatter [tilespmem:s16], [sflag:$0x3], $0x4000, $0x38;
	[tilespmem:$0x1E800] =	vst v63  }
0x25: {  	_ =	swait.ge [sflag:s17], $0x4000  }
0x26: {  	[sflag:s17] =	ssyncset.done $0x0  }
0x27: {  	[sflag:s17] =	ssyncadd.s32 $0xFFFFC000  }
0x28: {  	[spmem:s6] =	stream.linear.scatter [tilespmem:s16], [sflag:$0x3], $0x4000, $0x38;
	[tilespmem:$0x1E800] =	vst v63  }
0x29: {  	_ =	swait.ge [sflag:s17], $0x4000  }
0x2a: {  	[sflag:s17] =	ssyncset.done $0x0  }
0x2b: {  	[sflag:s17] =	ssyncadd.s32 $0xFFFFC000  }
0x2c: {  	[spmem:s7] =	stream.linear.scatter [tilespmem:s16], [sflag:$0x3], $0x4000, $0x38;
	[tilespmem:$0x1E800] =	vst v63  }
0x2d: {  	_ =	swait.ge [sflag:s17], $0x4000  }
0x2e: {  	[sflag:s17] =	ssyncset.done $0x0  }
0x2f: {  	[sflag:s17] =	ssyncadd.s32 $0xFFFFC000  }
0x30: {  	[spmem:s8] =	stream.linear.scatter [tilespmem:s16], [sflag:$0x3], $0x4000, $0x38;
	[tilespmem:$0x1E800] =	vst v63  }
0x31: {  	_ =	swait.ge [sflag:s17], $0x4000  }
0x32: {  	[sflag:s17] =	ssyncset.done $0x0  }
0x33: {  	[sflag:s17] =	ssyncadd.s32 $0xFFFFC000  }
0x34: {  	[spmem:s9] =	stream.linear.scatter [tilespmem:s16], [sflag:$0x3], $0x4000, $0x38;
	[tilespmem:$0x1E800] =	vst v63  }
0x35: {  	_ =	swait.ge [sflag:s17], $0x4000  }
0x36: {  	[sflag:s17] =	ssyncset.done $0x0  }
0x37: {  	[sflag:s17] =	ssyncadd.s32 $0xFFFFC000  }
0x38: {  	[bflag:$0x0] =	sbarrier.arrive $0xFFFF  }
0x39: {  	[tilespmem:s3], [sflag:$0x3] =	stream.linear.gather [hbm4b:s14+s3], $0x2800, $0x38;
	[tilespmem:$0x1E800] =	vst v63  }
0x3a: {  	_ =	swait.ge [sflag:s17], $0x2800  }
0x3b: {  	[sflag:s17] =	ssyncset.done $0x0  }
0x3c: {  	[sflag:s17] =	ssyncadd.s32 $0xFFFFD800  }
0x3d: {  	[tilespmem:s16], [sflag:$0x1] =	stream.indirect.gather [hbm4b:s4+s18], $0x80, s3, s18, $0xb8;
	[tilespmem:$0x1E800] =	vst v63  }
0x3e: {  	_ =	swait.ge [sflag:s19], $0x4000  }
0x3f: {  	[sflag:s19] =	ssyncset.done $0x0  }
0x40: {  	s28 =	simm.s32 $0x100;
	[sflag:s19] =	ssyncadd.s32 $0xFFFFC000  }
0x41: {  	[tilespmem:s20], [sflag:$0x2] =	stream.indirect.gather [hbm4b:s4+s18], $0x80, s28, s18, $0xb8;
	[tilespmem:$0x1E800] =	vst v63  }
0x42: {  	s29 =	simm.s32 $0x80  }
0x43: {  	[spmem:s2] =	stream.indirect.scatter.add.f32 [tilespmem:s16], [sflag:$0x3], $0x80, s29, s18, $0xb8;
	[tilespmem:$0x1E800] =	vst v63  }
0x44: {  	_ =	swait.ge [sflag:s17], $0x4000  }
0x45: {  	[sflag:s17] =	ssyncset.done $0x0  }
0x46: {  	[sflag:s17] =	ssyncadd.s32 $0xFFFFC000  }
0x47: {  	_ =	swait.ge [sflag:s21], $0x4000  }
0x48: {  	[sflag:s21] =	ssyncset.done $0x0  }
0x49: {  	s30 =	simm.s32 $0x200;
	[sflag:s21] =	ssyncadd.s32 $0xFFFFC000  }
0x4a: {  	[tilespmem:s16], [sflag:$0x1] =	stream.indirect.gather [hbm4b:s4+s18], $0x80, s30, s18, $0xb8;
	[tilespmem:$0x1E800] =	vst v63  }
0x4b: {  	s31 =	simm.s32 $0x180  }
0x4c: {  	[spmem:s2] =	stream.indirect.scatter.add.f32 [tilespmem:s20], [sflag:$0x3], $0x80, s31, s18, $0xb8;
	[tilespmem:$0x1E800] =	vst v63  }
0x4d: {  	_ =	swait.ge [sflag:s17], $0x4000  }
0x4e: {  	s26 =	simm.s32 $0xFFFF7000;
	[sflag:s17] =	ssyncset.done $0x0  }
.LBB2_4:
0x4f: {  	p2 =	sne.s32 s26, $0xFFFFF800  }
0x50: {  	[sflag:s17] =	ssyncadd.s32 $0xFFFFC000;
	s28 =	smov.u32 s26;
	s26 =	sadd.s32 $0x800, s26  }
0x51: {  	_ = 	snop  }
0x52: {  	_ =	swait.ge [sflag:s19], $0x4000  }
0x53: {  	s28 =	sshra.s32 s28, $0x2;
	[sflag:s19] =	ssyncset.done $0x0  }
0x54: {  	s29 =	sadd.s32 $0x2700, s28;
	[sflag:s19] =	ssyncadd.s32 $0xFFFFC000  }
0x55: {  	[tilespmem:s20], [sflag:$0x2] =	stream.indirect.gather [hbm4b:s4+s18], $0x80, s29, s18, $0xb8;
	[tilespmem:$0x1E800] =	vst v63  }
0x56: {  	s29 =	sadd.s32 $0x2680, s28  }
0x57: {  	[spmem:s2] =	stream.indirect.scatter.add.f32 [tilespmem:s16], [sflag:$0x3], $0x80, s29, s18, $0xb8;
	[tilespmem:$0x1E800] =	vst v63  }
0x58: {  	_ =	swait.ge [sflag:s17], $0x4000  }
0x59: {  	[sflag:s17] =	ssyncset.done $0x0  }
0x5a: {  	[sflag:s17] =	ssyncadd.s32 $0xFFFFC000  }
0x5b: {  	_ =	swait.ge [sflag:s21], $0x4000  }
0x5c: {  	[sflag:s21] =	ssyncset.done $0x0  }
0x5d: {  	s29 =	sadd.s32 $0x2800, s28;
	[sflag:s21] =	ssyncadd.s32 $0xFFFFC000  }
0x5e: {  	[tilespmem:s16], [sflag:$0x1] =	stream.indirect.gather [hbm4b:s4+s18], $0x80, s29, s18, $0xb8;
	[tilespmem:$0x1E800] =	vst v63  }
.Ltmp1:
0x5f: {  	_ = 	snop;
	(pc) =	sbr.rel @p2 .LBB2_4-.Ltmp1, $4  }
0x60: {  	s28 =	sadd.s32 $0x2780, s28  }
0x61: {  	[spmem:s2] =	stream.indirect.scatter.add.f32 [tilespmem:s20], [sflag:$0x3], $0x80, s28, s18, $0xb8;
	[tilespmem:$0x1E800] =	vst v63  }
0x62: {  	_ =	swait.ge [sflag:s17], $0x4000  }
0x63: {  	[sflag:s17] =	ssyncset.done $0x0  }
0x64: {  	[sflag:s17] =	ssyncadd.s32 $0xFFFFC000  }
0x65: {  	_ =	swait.ge [sflag:s19], $0x4000  }
0x66: {  	[sflag:s19] =	ssyncset.done $0x0  }
0x67: {  	[sflag:s19] =	ssyncadd.s32 $0xFFFFC000  }
0x68: {  	[tilespmem:s20], [sflag:$0x2] =	stream.indirect.gather [hbm4b:s4+s18], $0x80, s22, s18, $0xb8;
	[tilespmem:$0x1E800] =	vst v63  }
0x69: {  	_ = 	snop  }
0x6a: {  	[spmem:s2] =	stream.indirect.scatter.add.f32 [tilespmem:s16], [sflag:$0x3], $0x80, s23, s18, $0xb8;
	[tilespmem:$0x1E800] =	vst v63  }
0x6b: {  	_ =	swait.ge [sflag:s17], $0x4000  }
0x6c: {  	[sflag:s17] =	ssyncset.done $0x0  }
0x6d: {  	[sflag:s17] =	ssyncadd.s32 $0xFFFFC000  }
0x6e: {  	_ =	swait.ge [sflag:s21], $0x4000  }
0x6f: {  	[sflag:s21] =	ssyncset.done $0x0  }
0x70: {  	[sflag:s21] =	ssyncadd.s32 $0xFFFFC000  }
0x71: {  	[spmem:s2] =	stream.indirect.scatter.add.f32 [tilespmem:s20], [sflag:$0x3], $0x80, s24, s18, $0xb8;
	[tilespmem:$0x1E800] =	vst v63  }
0x72: {  	_ =	swait.ge [sflag:s17], $0x4000  }
0x73: {  	[sflag:s17] =	ssyncset.done $0x0  }
0x74: {  	[sflag:s17] =	ssyncadd.s32 $0xFFFFC000  }
0x75: {  	[tilespmem:s3], [sflag:$0x3] =	stream.linear.gather [hbm4b:s15+s3], $0x2800, $0x38;
	[tilespmem:$0x1E800] =	vst v63  }
0x76: {  	_ =	swait.ge [sflag:s17], $0x2800  }
0x77: {  	[sflag:s17] =	ssyncset.done $0x0  }
0x78: {  	[sflag:s17] =	ssyncadd.s32 $0xFFFFD800  }
0x79: {  	[tilespmem:s16], [sflag:$0x1] =	stream.indirect.gather [hbm4b:s4+s18], $0x80, s3, s18, $0xb8;
	[tilespmem:$0x1E800] =	vst v63  }
0x7a: {  	_ =	swait.ge [sflag:s19], $0x4000  }
0x7b: {  	[sflag:s19] =	ssyncset.done $0x0  }
0x7c: {  	s26 =	simm.s32 $0x100;
	[sflag:s19] =	ssyncadd.s32 $0xFFFFC000  }
0x7d: {  	[tilespmem:s20], [sflag:$0x2] =	stream.indirect.gather [hbm4b:s4+s18], $0x80, s26, s18, $0xb8;
	[tilespmem:$0x1E800] =	vst v63  }
0x7e: {  	s29 =	simm.s32 $0x80  }
0x7f: {  	[spmem:s2] =	stream.indirect.scatter.add.f32 [tilespmem:s16], [sflag:$0x3], $0x80, s29, s18, $0xb8;
	[tilespmem:$0x1E800] =	vst v63  }
0x80: {  	_ =	swait.ge [sflag:s17], $0x4000  }
0x81: {  	[sflag:s17] =	ssyncset.done $0x0  }
0x82: {  	[sflag:s17] =	ssyncadd.s32 $0xFFFFC000  }
0x83: {  	_ =	swait.ge [sflag:s21], $0x4000  }
0x84: {  	[sflag:s21] =	ssyncset.done $0x0  }
0x85: {  	s30 =	simm.s32 $0x200;
	[sflag:s21] =	ssyncadd.s32 $0xFFFFC000  }
0x86: {  	[tilespmem:s16], [sflag:$0x1] =	stream.indirect.gather [hbm4b:s4+s18], $0x80, s30, s18, $0xb8;
	[tilespmem:$0x1E800] =	vst v63  }
0x87: {  	s31 =	simm.s32 $0x180  }
0x88: {  	[spmem:s2] =	stream.indirect.scatter.add.f32 [tilespmem:s20], [sflag:$0x3], $0x80, s31, s18, $0xb8;
	[tilespmem:$0x1E800] =	vst v63  }
0x89: {  	_ =	swait.ge [sflag:s17], $0x4000  }
0x8a: {  	s26 =	simm.s32 $0xFFFF7000;
	[sflag:s17] =	ssyncset.done $0x0  }
.LBB2_6:
0x8b: {  	p2 =	sne.s32 s26, $0xFFFFF800  }
0x8c: {  	[sflag:s17] =	ssyncadd.s32 $0xFFFFC000;
	s28 =	smov.u32 s26;
	s26 =	sadd.s32 $0x800, s26  }
0x8d: {  	_ = 	snop  }
0x8e: {  	_ =	swait.ge [sflag:s19], $0x4000  }
0x8f: {  	s28 =	sshra.s32 s28, $0x2;
	[sflag:s19] =	ssyncset.done $0x0  }
0x90: {  	s29 =	sadd.s32 $0x2700, s28;
	[sflag:s19] =	ssyncadd.s32 $0xFFFFC000  }
0x91: {  	[tilespmem:s20], [sflag:$0x2] =	stream.indirect.gather [hbm4b:s4+s18], $0x80, s29, s18, $0xb8;
	[tilespmem:$0x1E800] =	vst v63  }
0x92: {  	s29 =	sadd.s32 $0x2680, s28  }
0x93: {  	[spmem:s2] =	stream.indirect.scatter.add.f32 [tilespmem:s16], [sflag:$0x3], $0x80, s29, s18, $0xb8;
	[tilespmem:$0x1E800] =	vst v63  }
0x94: {  	_ =	swait.ge [sflag:s17], $0x4000  }
0x95: {  	[sflag:s17] =	ssyncset.done $0x0  }
0x96: {  	[sflag:s17] =	ssyncadd.s32 $0xFFFFC000  }
0x97: {  	_ =	swait.ge [sflag:s21], $0x4000  }
0x98: {  	[sflag:s21] =	ssyncset.done $0x0  }
0x99: {  	s29 =	sadd.s32 $0x2800, s28;
	[sflag:s21] =	ssyncadd.s32 $0xFFFFC000  }
0x9a: {  	[tilespmem:s16], [sflag:$0x1] =	stream.indirect.gather [hbm4b:s4+s18], $0x80, s29, s18, $0xb8;
	[tilespmem:$0x1E800] =	vst v63  }
.Ltmp2:
0x9b: {  	_ = 	snop;
	(pc) =	sbr.rel @p2 .LBB2_6-.Ltmp2, $4  }
0x9c: {  	s28 =	sadd.s32 $0x2780, s28  }
0x9d: {  	[spmem:s2] =	stream.indirect.scatter.add.f32 [tilespmem:s20], [sflag:$0x3], $0x80, s28, s18, $0xb8;
	[tilespmem:$0x1E800] =	vst v63  }
0x9e: {  	_ =	swait.ge [sflag:s17], $0x4000  }
0x9f: {  	[sflag:s17] =	ssyncset.done $0x0  }
0xa0: {  	[sflag:s17] =	ssyncadd.s32 $0xFFFFC000  }
0xa1: {  	_ =	swait.ge [sflag:s19], $0x4000  }
0xa2: {  	[sflag:s19] =	ssyncset.done $0x0  }
0xa3: {  	[sflag:s19] =	ssyncadd.s32 $0xFFFFC000  }
0xa4: {  	[tilespmem:s20], [sflag:$0x2] =	stream.indirect.gather [hbm4b:s4+s18], $0x80, s22, s18, $0xb8;
	[tilespmem:$0x1E800] =	vst v63  }
0xa5: {  	_ = 	snop  }
0xa6: {  	[spmem:s2] =	stream.indirect.scatter.add.f32 [tilespmem:s16], [sflag:$0x3], $0x80, s23, s18, $0xb8;
	[tilespmem:$0x1E800] =	vst v63  }
0xa7: {  	_ =	swait.ge [sflag:s17], $0x4000  }
0xa8: {  	[sflag:s17] =	ssyncset.done $0x0  }
0xa9: {  	[sflag:s17] =	ssyncadd.s32 $0xFFFFC000  }
0xaa: {  	_ =	swait.ge [sflag:s21], $0x4000  }
0xab: {  	[sflag:s21] =	ssyncset.done $0x0  }
0xac: {  	[sflag:s21] =	ssyncadd.s32 $0xFFFFC000  }
0xad: {  	[spmem:s2] =	stream.indirect.scatter.add.f32 [tilespmem:s20], [sflag:$0x3], $0x80, s24, s18, $0xb8;
	[tilespmem:$0x1E800] =	vst v63  }
0xae: {  	_ =	swait.ge [sflag:s17], $0x4000  }
0xaf: {  	[sflag:s17] =	ssyncset.done $0x0  }
0xb0: {  	s26 =	sshll.u32 @p0 s0, $0x6;
	[sflag:s17] =	ssyncadd.s32 $0xFFFFC000  }
0xb1: {  	s28 =	sshrl.u32 @p0 s10, $0x3;
	s26 =	sor.u32 @p0 $0x1C03, s26;
	[bflag:$0x0] =	sbarrier.arrive $0xFFFF  }
0xb2: {  	[hbm:s11], [sflag:s26] =	dma.local @p0 [spmem:s28], $0x3E80  }
0xb3: {  	s26 =	simm.s32 @p0 $0x3  }
0xb4: {  	s25 =	sadd.s32 $0x1, s25;
	_ =	swait.ge @p0 [sflag:s26], $0x3E80  }
0xb5: {  	p2 =	sne.s32 s25, s13;
	s28 =	sshll.u32 @p1 s0, $0x6;
	[sflag:s26] =	ssyncset.done @p0 $0x0  }
0xb6: {  	[sflag:s26] =	ssyncadd.s32 @p0 $0xFFFFC180;
	s26 =	sor.u32 @p1 $0x1C03, s28;
	s28 =	sshrl.u32 @p1 s10, $0x3  }
0xb7: {  	[hbm:s12], [sflag:s26] =	dma.local @p1 [spmem:s28], $0x3E80  }
.Ltmp3:
0xb8: {  	_ = 	snop;
	(pc) =	sbr.rel @p2 .LBB2_1-.Ltmp3, $4  }
0xb9: {  	s26 =	simm.s32 @p1 $0x3  }
0xba: {  	_ =	swait.ge @p1 [sflag:s26], $0x3E80  }
0xbb: {  	[sflag:s26] =	ssyncset.done @p1 $0x0  }
0xbc: {  	[sflag:s26] =	ssyncadd.s32 @p1 $0xFFFFC180  }
0xbd: {  	_ =	sfence.sel $0x180000  }
0xbe: {  	[bflag:$0x0] =	sbarrier.arrive $0xFFFF  }
0xbf: {  	p0 =	sne.s32 s0, $0x0;
	_ =	strace $0x9000004D  }
0xc0: {  	s0 =	sadd.s32 @!p0 $0x100000, s1;
	[bflag:$0x2] =	sbarrier.arrive $0xFFFF  }
0xc1: {  	[sflag:s0] =	ssyncadd.tile.s32 @!p0 $0x1;
	_ =	shalt  }
.Lfunc_end2:
_tile_overlayer_lowered:
.L_overlay_start_2:
0xc2: {  	(tag) =	ssettag $0x2  }
0xc3: {  	s0 =	rddreg [dreg:$0x0];
	s2 =	stileid.u32  }
0xc4: {  	s1 =	rddreg [dreg:$0x1];
	p0 =	sne.s32 s2, $0x0  }
0xc5: {  	s3 =	rddreg [dreg:$0x2];
	[bflag:$0x3] =	sbarrier.arrive $0xFFFF;
	s2 =	simm.s32 @!p0 $0x1C03  }
0xc6: {  	[timem:s3], [sflag:s2] =	dma.local @!p0 [hbm:s0], s1  }
0xc7: {  	s0 =	simm.s32 @!p0 $0x3  }
0xc8: {  	_ =	swait.ge @!p0 [sflag:s0], s1  }
0xc9: {  	s1 =	ssub.s32 @!p0 $0x0, s1;
	[sflag:s0] =	ssyncset.done @!p0 $0x0  }
0xca: {  	[sflag:s0] =	ssyncadd.s32 @!p0 s1  }
0xcb: {  	[bflag:$0x3] =	sbarrier.arrive $0xFFFF  }
0xcc: {  	_ =	shalt  }

// kernel: kernel.18.cloned.1.call-start
scs
__scs_entry_jumppad:
0x0: {  	(pc) =	sbr.rel $0x88, $3  }
0x1: {  	(tag) =	ssettag $0x0;
	lr =	simm.s32 $0x1  }
0x2: {  	[smem:$0x3F99] =	sst lr;
	_ =	strace $0xD0000000  }
0x3: {  	_ = 	snop  }
0x4: {  	_ = 	snop  }
0x5: {  	_ = 	snop  }
0x6: {  	_ = 	snop  }
0x7: {  	_ = 	snop  }
__scs_overlays_trampoline_lowered:
0x8: {  	[smem:$0x3FA8] =	sst s0  }
0x9: {  	[smem:$0x3FA9] =	sst s1  }
0xa: {  	[smem:$0x3FAA] =	sst s2  }
0xb: {  	[smem:$0x3FAB] =	sst s3  }
0xc: {  	[smem:$0x3FAC] =	sst s4  }
0xd: {  	[smem:$0x3FAD] =	sst s5  }
0xe: {  	[smem:$0x3FAE] =	sst s6  }
0xf: {  	[smem:$0x3FAF] =	sst s7  }
0x10: {  	[smem:$0x3FB0] =	sst s8  }
0x11: {  	[smem:$0x3FB1] =	sst s9;
	s0 =	simm.s32 @!p0 $0x0  }
0x12: {  	s1 =	sld [smem:$0x3F97];
	s0 =	simm.s32 @p0 $0x1  }
0x13: {  	[smem:$0x3FB2] =	sst s0;
	s0 =	simm.s32 @!p1 $0x0  }
0x14: {  	s2 =	sld [smem:$0x3F96];
	s0 =	simm.s32 @p1 $0x1  }
0x15: {  	[smem:$0x3FB3] =	sst s0;
	s0 =	simm.s32 @!p2 $0x0  }
0x16: {  	s3 =	sld [smem:$0x3FDB];
	s0 =	simm.s32 @p2 $0x1  }
0x17: {  	s4 =	simm.s32 $0x1BF5;
	[smem:$0x3FB5] =	sst s0  }
0x18: {  	s0 =	sld [smem:$0x3F98];
	_ =	swait.ge [sflag:s4], $0x0  }
0x19: {  	s7 =	sld [smem:$0x3F99]  }
0x1a: {  	s8 =	sadd.s32 $0xFFFFE003, lr  }
0x1b: {  	s9 =	sadd.s32 $0xFFFFFEF7, lr;
	s5 =	simm.s32 $0xFFFFFFFF;
	p2 =	slt.u32 s8, $0xFFFFF086  }
0x1c: {  	p1 =	slt.u32 s9, $0xF7A;
	s5 =	simm.s32 @!p2 $0x0  }
0x1d: {  	s5 =	simm.s32 @p1 $0x1;
	p0 =	seq.s32 s7, s2  }
0x1e: {  	s7 =	smul.u32 @!p0 $0xF7A, s2;
	p2 =	seq.s32 @!p0 s5, $0x0  }
0x1f: {  	s9 =	smul.u32 $0xF7A, s1;
	s8 =	simm.s32 @!p0 $0x1BF5;
	p2 =	por !p2, p0  }
0x20: {  	[sflag:s8] =	ssyncset.s32 @!p0 $0xFFFFF086;
	s6 =	sadd.s32 @!p0 s3, s7;
	s7 =	simm.s32 @!p0 $0x108  }
0x21: {  	s3 =	sadd.s32 s3, s9;
	s6 =	sadd.s32 @!p0 $0x88, s6;
	s7 =	simm.s32 @p2 $0x1082  }
0x22: {  	[simem:s7], [sflag:s8] =	dma.local @!p0 [hbm:s6], $0xF7A  }
0x23: {  	s9 =	sor.u32 $0xD0000000, s2;
	s6 =	simm.s32 $0x108;
	_ =	swait.ge @!p0 [sflag:s8], $0x0  }
0x24: {  	s3 =	sadd.s32 $0x88, s3;
	s6 =	simm.s32 @!p1 $0x1082;
	[sflag:s4] =	ssyncset.s32 $0xFFFFF086  }
0x25: {  	[simem:s6], [sflag:s4] =	dma.local [hbm:s3], $0xF7A  }
0x26: {  	[smem:$0x3F99] =	sst s1;
	(tag) =	ssettag s2;
	_ =	strace s9  }
0x27: {  	s1 =	sld [smem:$0x3FA9]  }
0x28: {  	s2 =	sld [smem:$0x3FAA]  }
0x29: {  	s4 =	sld [smem:$0x3FAC]  }
0x2a: {  	p0 =	seq.s32 s5, $0x0;
	s5 =	sld [smem:$0x3FAD]  }
0x2b: {  	s6 =	sld [smem:$0x3FAE]  }
0x2c: {  	s7 =	sld [smem:$0x3FAF]  }
0x2d: {  	s3 =	simm.s32 $0x108;
	s8 =	sld [smem:$0x3FB0]  }
0x2e: {  	s3 =	simm.s32 @!p0 $0x1082;
	s9 =	sld [smem:$0x3FB1]  }
0x2f: {  	lr =	sadd.s32 s0, s3;
	s0 =	sld [smem:$0x3FA8]  }
0x30: {  	s3 =	sld [smem:$0x3FAB]  }
0x31: {  	[smem:$0x3FB4] =	sst s10  }
0x32: {  	s10 =	sld [smem:$0x3FB2];
	_ =	sdelay $0x3  }
0x33: {  	p0 =	seq.s32 s10, $0x1;
	s10 =	sld [smem:$0x3FB4];
	_ =	sdelay $0x3  }
0x34: {  	[smem:$0x3FB4] =	sst s10  }
0x35: {  	s10 =	sld [smem:$0x3FB3];
	_ =	sdelay $0x3  }
0x36: {  	p1 =	seq.s32 s10, $0x1;
	s10 =	sld [smem:$0x3FB4];
	_ =	sdelay $0x3  }
0x37: {  	[smem:$0x3FB4] =	sst s10  }
0x38: {  	s10 =	sld [smem:$0x3FB5]  }
0x39: {  	_ = 	snop;
	(pc) =	sbr.ind lr, $3  }
0x3a: {  	_ = 	snop  }
0x3b: {  	_ = 	snop  }
0x3c: {  	p2 =	seq.s32 s10, $0x1;
	s10 =	sld [smem:$0x3FB4]  }
0x3d: {  	_ =	shalt  }
0x3e: {  	_ =	shalt  }
0x3f: {  	_ =	shalt  }
0x40: {  	_ =	shalt  }
0x41: {  	_ =	shalt  }
0x42: {  	_ =	shalt  }
0x43: {  	_ =	shalt  }
0x44: {  	_ =	shalt  }
0x45: {  	_ =	shalt  }
0x46: {  	_ =	shalt  }
0x47: {  	_ =	shalt  }
0x48: {  	_ =	shalt  }
0x49: {  	_ =	shalt  }
0x4a: {  	_ =	shalt  }
0x4b: {  	_ =	shalt  }
0x4c: {  	_ =	shalt  }
0x4d: {  	_ =	shalt  }
0x4e: {  	_ =	shalt  }
0x4f: {  	_ =	shalt  }
0x50: {  	_ =	shalt  }
0x51: {  	_ =	shalt  }
0x52: {  	_ =	shalt  }
0x53: {  	_ =	shalt  }
0x54: {  	_ =	shalt  }
0x55: {  	_ =	shalt  }
0x56: {  	_ =	shalt  }
0x57: {  	_ =	shalt  }
0x58: {  	_ =	shalt  }
0x59: {  	_ =	shalt  }
0x5a: {  	_ =	shalt  }
0x5b: {  	_ =	shalt  }
0x5c: {  	_ =	shalt  }
0x5d: {  	_ =	shalt  }
0x5e: {  	_ =	shalt  }
0x5f: {  	_ =	shalt  }
0x60: {  	_ =	shalt  }
0x61: {  	_ =	shalt  }
0x62: {  	_ =	shalt  }
0x63: {  	_ =	shalt  }
0x64: {  	_ =	shalt  }
0x65: {  	_ =	shalt  }
0x66: {  	_ =	shalt  }
0x67: {  	_ =	shalt  }
0x68: {  	_ =	shalt  }
0x69: {  	_ =	shalt  }
0x6a: {  	_ =	shalt  }
0x6b: {  	_ =	shalt  }
0x6c: {  	_ =	shalt  }
0x6d: {  	_ =	shalt  }
0x6e: {  	_ =	shalt  }
0x6f: {  	_ =	shalt  }
0x70: {  	_ =	shalt  }
0x71: {  	_ =	shalt  }
0x72: {  	_ =	shalt  }
0x73: {  	_ =	shalt  }
0x74: {  	_ =	shalt  }
0x75: {  	_ =	shalt  }
0x76: {  	_ =	shalt  }
0x77: {  	_ =	shalt  }
0x78: {  	_ =	shalt  }
0x79: {  	_ =	shalt  }
0x7a: {  	_ =	shalt  }
0x7b: {  	_ =	shalt  }
0x7c: {  	_ =	shalt  }
0x7d: {  	_ =	shalt  }
0x7e: {  	_ =	shalt  }
0x7f: {  	_ =	shalt  }
0x80: {  	_ =	shalt  }
0x81: {  	_ =	shalt  }
0x82: {  	_ =	shalt  }
0x83: {  	_ =	shalt  }
0x84: {  	_ =	shalt  }
0x85: {  	_ =	shalt  }
0x86: {  	_ =	shalt  }
0x87: {  	_ =	shalt  }
.Lfunc_end0:
.L_simem_size_0:
called_computation.3_lowered:
.L_overlay_start_0:
0x88: {  	s2 =	sld [smem:$0x3FD9]  }
0x89: {  	s3 =	sld [smem:$0x3FFE];
	_ =	sdelay $0x1  }
0x8a: {  	s1 =	srdreg.scid  }
0x8b: {  	s0 =	sand.u32 $0x1, s1  }
0x8c: {  	s17 =	sshll.u32 s0, $0xA;
	s2 =	sadd.s32 s3, s2  }
0x8d: {  	s2 =	sadd.s32 s2, s17  }
0x8e: {  	[smem:$0x3FC0] =	sst s2  }
0x8f: {  	_ = 	snop  }
0x90: {  	s2 =	sld [smem:$0x3FD0];
	(tm) =	ssettm $0x1  }
0x91: {  	s18 =	sld [smem:$0x3FFB];
	_ =	sdelay $0x3  }
0x92: {  	_ =	strace s18  }
0x93: {  	s3 =	sld [smem:$0x3FFC];
	_ =	sdelay $0x3  }
0x94: {  	_ =	strace s3  }
0x95: {  	s3 =	sld [smem:$0x3FFD];
	_ =	sdelay $0x3  }
0x96: {  	_ =	strace s3  }
0x97: {  	_ =	strace $0x8FFFFFFF  }
0x98: {  	s19 =	sld [smem:$0x3FDB];
	_ =	sdelay $0x1  }
0x99: {  	s4 =	simm.s32 $_scs_section_size  }
0x9a: {  	s5 =	simm.s32 $_size__tile_overlayer_lowered;
	s6 =	simm.s32 $_tile_overlayer_lowered  }
0x9b: {  	s22 =	simm.s32 $0x1BFF;
	s21 =	sshll.u32 s6, $0x1;
	s3 =	sadd.s32 s4, s19  }
0x9c: {  	s7 =	simm.s32 $0x0;
	s20 =	sshll.u32 s5, $0x1;
	s5 =	sadd.s32 s21, s3  }
0x9d: {  	[timem:s7], [sflag:s22] =	dma.local [hbm:s5], s20  }
0x9e: {  	_ =	swait.ge [sflag:s22], s20  }
0x9f: {  	s4 =	ssub.s32 $0x0, s20;
	[sflag:s22] =	ssyncset.done $0x0  }
0xa0: {  	[sflag:s22] =	ssyncadd.s32 s4;
	_ =	sdelay $0x1  }
0xa1: {  	s23 =	simm.s32 $0x1B8B  }
0xa2: {  	_ =	swait.ge [sflag:s23], $0x1  }
0xa3: {  	[sflag:s23] =	ssyncset.done $0x0  }
0xa4: {  	s25 =	simm.s32 $0x1B8E;
	s24 =	sld [smem:$0x3FFE];
	[sflag:s23] =	ssyncadd.s32 $0xFFFFFFFF  }
0xa5: {  	s26 =	simm.s32 $execute0_lowered;
	[smem:$0x3FD2] =	sst s25  }
0xa6: {  	s5 =	sshll.u32 s26, $0x1;
	_ =	strace $0x8000004F;
	[dreg:$0x1] =	wrdreg $0xFFFFFFFF  }
0xa7: {  	s28 =	simm.s32 $_size_execute0_lowered;
	s3 =	sadd.s32 s3, s5;
	[dreg:$0x0] =	wrdreg $0x0  }
0xa8: {  	s5 =	sshll.u32 s28, $0x1;
	[dreg:$0x2] =	wrdreg s3  }
0xa9: {  	[dreg:$0x3] =	wrdreg s5  }
0xaa: {  	[dreg:$0x4] =	wrdreg $0xC0  }
0xab: {  	_ =	task [dreg:s7], $0x5FFFF  }
0xac: {  	[dreg:$0x1] =	wrdreg $0xFFFFFFFF  }
0xad: {  	[dreg:$0x0] =	wrdreg $0x60  }
0xae: {  	[dreg:$0x2] =	wrdreg s2  }
0xaf: {  	[dreg:$0x3] =	wrdreg s24  }
0xb0: {  	[dreg:$0x4] =	wrdreg $0x9  }
0xb1: {  	_ =	task.clear_ibuf [dreg:s7], $0x5FFFF;
	_ =	strace $0x9000004F  }
0xb2: {  	s29 =	simm.s32 $0x9;
	_ =	strace $0x80000051  }
0xb3: {  	_ =	swait.ge [sflag:s29], $0x1  }
0xb4: {  	[sflag:s29] =	ssyncadd.s32 $0xFFFFFFFF  }
0xb5: {  	_ =	strace $0x90000051  }
0xb6: {  	_ =	sfence  }
0xb7: {  	s30 =	sld [smem:$0x0];
	_ =	sdelay $0x2  }
0xb8: {  	s31 =	sshll.u32 s1, $0xD;
	s1 =	sshrl.u32 s1, $0x2  }
0xb9: {  	s3 =	sand.u32 $0x4000, s31;
	s1 =	sadd.s32 s1, s30  }
0xba: {  	s0 =	sor.u32 s3, s0;
	s1 =	sshll.u32 s1, $0x11  }
0xbb: {  	s0 =	sor.u32 s1, s0  }
0xbc: {  	s0 =	sadd.s32 $0x8F2B, s0  }
0xbd: {  	[sflag:s0] =	ssyncadd.remote.s32 $0x1  }
0xbe: {  	_ =	sfence.sel $0xFFFF  }
0xbf: {  	[dreg:$0x0] =	wrdreg $0xFFFFFFFF;
	(pc) =	sbr.abs _section_cstart, $3  }
0xc0: {  	[dreg:$0x1] =	wrdreg $0xFFFFFFFF  }
0xc1: {  	_ =	task.clear_ibuf [dreg:s7], $0x2FFFF;
	_ =	strace $0x9FFFFFFF  }
0xc2: {  	(tm) =	ssettm $0x7FFFFFFF  }
0xc3: {  	_ =	shalt  }
tec
execute0_lowered:
.L_overlay_start_1:
0x0: {  	(tag) =	ssettag $0x1  }
0x1: {  	s0 =	srdreg.scid;
	s2 =	rddreg [dreg:$0x0]  }
0x2: {  	s5 =	rddreg [dreg:$0x1];
	s3 =	simm.s32 $0x0;
	s4 =	sand.u32 $0x1, s0  }
0x3: {  	s7 =	simm.s32 $0x1;
	s0 =	stileid.u32;
	s1 =	sshll.u32 s4, $0x4  }
0x4: {  	s8 =	simm.s32 $0x5000;
	s9 =	simm.s32 $0xA000;
	s1 =	sor.u32 s0, s1  }
0x5: {  	[smem:$0x7FF] =	sst s3;
	s4 =	ssub.s32 $0x2, s4;
	s6 =	smul.u32 $0xA00, s1  }
0x6: {  	s10 =	simm.s32 $0x0;
	s31 =	sshrl.u32 s4, $0x1;
	s1 =	rddreg [dreg:$0x2]  }
0x7: {  	_ =	strace $0x80000050;
	s5 =	sadd.s32 s6, s5;
	s6 =	ssub.s32 s4, s31  }
0x8: {  	s4 =	sadd.s32 $0x4600, s5;
	s5 =	sadd.s32 $0x18600, s5;
	s6 =	smax.u32 s6, $0x1  }
.LBB2_1:
0x9: {  	[tilespmem:s3], [sflag:$0x1] =	stream.linear.gather [hbm4b:s2+s3], $0x5000, $0x38;
	[tilespmem:$0xF000] =	vst v63  }
0xa: {  	_ =	swait.ge [sflag:s7], $0x5000  }
0xb: {  	[sflag:s7] =	ssyncset.done $0x0  }
0xc: {  	[sflag:s7] =	ssyncadd.s32 $0xFFFFB000  }
0xd: {  	[tilespmem:s8], [sflag:$0x1] =	stream.linear.gather [hbm4b:s4+s3], $0x5000, $0x38;
	[tilespmem:$0xF000] =	vst v63  }
0xe: {  	_ =	swait.ge [sflag:s7], $0x5000  }
0xf: {  	[sflag:s7] =	ssyncset.done $0x0  }
0x10: {  	s11 =	simm.s32 $0x0;
	[sflag:s7] =	ssyncadd.s32 $0xFFFFB000  }
.LBB2_2:
0x11: {  	s12 =	sshra.s32 s11, $0x2  }
0x12: {  	v0 =	vld [tilespmem:s12+$0x5000]  }
0x13: {  	v1 =	vld [tilespmem:s12+$0x5080];
	_ =	sdelay $0x4  }
0x14: {  	v0 =	vshll.u32 v0, $0x1;
	v1 =	vshll.u32 v1, $0x1  }
0x15: {  	v1 =	vor.u32 $0x1, v1;
	_ =	sdelay $0x3  }
0x16: {  	v0 =	vld.idx.msk [tilespmem:v0+s3+$0x0], $0xffff  }
0x17: {  	v1 =	vld.idx.msk [tilespmem:v1+s3+$0x0], $0xffff;
	_ =	sdelay $0x4  }
0x18: {  	v0 =	vadd.f32 v1, v0;
	_ =	sdelay $0x1  }
0x19: {  	v0 =	vsub.f32 $0.0e+00, v0;
	_ =	sdelay $0x1  }
0x1a: {  	v0 =	vmul.f32 $1.442695020e+00, v0;
	_ =	sdelay $0x1  }
0x1b: {  	(erf) = vpow2.f32 v0;
	_ =	sdelay $0x8  }
0x1c: {  	v0 =	vpop (erf)  }
0x1d: {  	v0 =	vadd.f32 $1.000000000e+00, v0;
	_ =	sdelay $0x1  }
0x1e: {  	v44 =	vld [tilespmem:s12+$0x5010];
	(erf) = vrcp.f32 v0  }
0x1f: {  	v45 =	vld [tilespmem:s12+$0x5090];
	_ =	sdelay $0x4  }
0x20: {  	v1 =	vshll.u32 v45, $0x1;
	v0 =	vshll.u32 v44, $0x1  }
0x21: {  	v1 =	vor.u32 $0x1, v1;
	_ =	sdelay $0x1  }
0x22: {  	v2 =	vpop (erf)  }
0x23: {  	[tilespmem:s12+$0xA000] =	vst v2  }
0x24: {  	v0 =	vld.idx.msk [tilespmem:v0+s3+$0x0], $0xffff  }
0x25: {  	v1 =	vld.idx.msk [tilespmem:v1+s3+$0x0], $0xffff;
	_ =	sdelay $0x4  }
0x26: {  	v0 =	vadd.f32 v1, v0;
	_ =	sdelay $0x1  }
0x27: {  	v0 =	vsub.f32 $0.0e+00, v0;
	_ =	sdelay $0x1  }
0x28: {  	v0 =	vmul.f32 $1.442695020e+00, v0;
	_ =	sdelay $0x1  }
0x29: {  	(erf) = vpow2.f32 v0;
	_ =	sdelay $0x8  }
0x2a: {  	v0 =	vpop (erf)  }
0x2b: {  	v0 =	vadd.f32 $1.000000000e+00, v0;
	_ =	sdelay $0x1  }
0x2c: {  	v46 =	vld [tilespmem:s12+$0x5020];
	(erf) = vrcp.f32 v0  }
0x2d: {  	v47 =	vld [tilespmem:s12+$0x50A0];
	_ =	sdelay $0x4  }
0x2e: {  	v1 =	vshll.u32 v47, $0x1;
	v0 =	vshll.u32 v46, $0x1  }
0x2f: {  	v1 =	vor.u32 $0x1, v1;
	_ =	sdelay $0x1  }
0x30: {  	v48 =	vpop (erf)  }
0x31: {  	[tilespmem:s12+$0xA010] =	vst v48  }
0x32: {  	v0 =	vld.idx.msk [tilespmem:v0+s3+$0x0], $0xffff  }
0x33: {  	v1 =	vld.idx.msk [tilespmem:v1+s3+$0x0], $0xffff;
	_ =	sdelay $0x4  }
0x34: {  	v0 =	vadd.f32 v1, v0;
	_ =	sdelay $0x1  }
0x35: {  	v0 =	vsub.f32 $0.0e+00, v0;
	_ =	sdelay $0x1  }
0x36: {  	v0 =	vmul.f32 $1.442695020e+00, v0;
	_ =	sdelay $0x1  }
0x37: {  	(erf) = vpow2.f32 v0;
	_ =	sdelay $0x8  }
0x38: {  	v0 =	vpop (erf)  }
0x39: {  	v0 =	vadd.f32 $1.000000000e+00, v0;
	_ =	sdelay $0x1  }
0x3a: {  	v49 =	vld [tilespmem:s12+$0x5030];
	(erf) = vrcp.f32 v0  }
0x3b: {  	v50 =	vld [tilespmem:s12+$0x50B0];
	_ =	sdelay $0x4  }
0x3c: {  	v1 =	vshll.u32 v50, $0x1;
	v0 =	vshll.u32 v49, $0x1  }
0x3d: {  	v1 =	vor.u32 $0x1, v1;
	_ =	sdelay $0x1  }
0x3e: {  	v51 =	vpop (erf)  }
0x3f: {  	[tilespmem:s12+$0xA020] =	vst v51  }
0x40: {  	v0 =	vld.idx.msk [tilespmem:v0+s3+$0x0], $0xffff  }
0x41: {  	v1 =	vld.idx.msk [tilespmem:v1+s3+$0x0], $0xffff;
	_ =	sdelay $0x4  }
0x42: {  	v0 =	vadd.f32 v1, v0;
	_ =	sdelay $0x1  }
0x43: {  	v0 =	vsub.f32 $0.0e+00, v0;
	_ =	sdelay $0x1  }
0x44: {  	v0 =	vmul.f32 $1.442695020e+00, v0;
	_ =	sdelay $0x1  }
0x45: {  	(erf) = vpow2.f32 v0;
	_ =	sdelay $0x8  }
0x46: {  	v0 =	vpop (erf)  }
0x47: {  	v0 =	vadd.f32 $1.000000000e+00, v0;
	_ =	sdelay $0x1  }
0x48: {  	v52 =	vld [tilespmem:s12+$0x5040];
	(erf) = vrcp.f32 v0  }
0x49: {  	v53 =	vld [tilespmem:s12+$0x50C0];
	_ =	sdelay $0x4  }
0x4a: {  	v1 =	vshll.u32 v53, $0x1;
	v0 =	vshll.u32 v52, $0x1  }
0x4b: {  	v1 =	vor.u32 $0x1, v1;
	_ =	sdelay $0x1  }
0x4c: {  	v54 =	vpop (erf)  }
0x4d: {  	[tilespmem:s12+$0xA030] =	vst v54  }
0x4e: {  	v0 =	vld.idx.msk [tilespmem:v0+s3+$0x0], $0xffff  }
0x4f: {  	v1 =	vld.idx.msk [tilespmem:v1+s3+$0x0], $0xffff;
	_ =	sdelay $0x4  }
0x50: {  	v0 =	vadd.f32 v1, v0;
	_ =	sdelay $0x1  }
0x51: {  	v0 =	vsub.f32 $0.0e+00, v0;
	_ =	sdelay $0x1  }
0x52: {  	v0 =	vmul.f32 $1.442695020e+00, v0;
	_ =	sdelay $0x1  }
0x53: {  	(erf) = vpow2.f32 v0;
	_ =	sdelay $0x8  }
0x54: {  	v0 =	vpop (erf)  }
0x55: {  	v0 =	vadd.f32 $1.000000000e+00, v0;
	_ =	sdelay $0x1  }
0x56: {  	v55 =	vld [tilespmem:s12+$0x5050];
	(erf) = vrcp.f32 v0  }
0x57: {  	v56 =	vld [tilespmem:s12+$0x50D0];
	_ =	sdelay $0x4  }
0x58: {  	v1 =	vshll.u32 v56, $0x1;
	v0 =	vshll.u32 v55, $0x1  }
0x59: {  	v1 =	vor.u32 $0x1, v1;
	_ =	sdelay $0x1  }
0x5a: {  	v57 =	vpop (erf)  }
0x5b: {  	[tilespmem:s12+$0xA040] =	vst v57  }
0x5c: {  	v0 =	vld.idx.msk [tilespmem:v0+s3+$0x0], $0xffff  }
0x5d: {  	v1 =	vld.idx.msk [tilespmem:v1+s3+$0x0], $0xffff;
	_ =	sdelay $0x4  }
0x5e: {  	v0 =	vadd.f32 v1, v0;
	_ =	sdelay $0x1  }
0x5f: {  	v0 =	vsub.f32 $0.0e+00, v0;
	_ =	sdelay $0x1  }
0x60: {  	v0 =	vmul.f32 $1.442695020e+00, v0;
	_ =	sdelay $0x1  }
0x61: {  	(erf) = vpow2.f32 v0;
	_ =	sdelay $0x8  }
0x62: {  	v0 =	vpop (erf)  }
0x63: {  	v0 =	vadd.f32 $1.000000000e+00, v0;
	_ =	sdelay $0x1  }
0x64: {  	v58 =	vld [tilespmem:s12+$0x5060];
	(erf) = vrcp.f32 v0  }
0x65: {  	v59 =	vld [tilespmem:s12+$0x50E0];
	_ =	sdelay $0x4  }
0x66: {  	v1 =	vshll.u32 v59, $0x1;
	v0 =	vshll.u32 v58, $0x1  }
0x67: {  	v1 =	vor.u32 $0x1, v1;
	_ =	sdelay $0x1  }
0x68: {  	v60 =	vpop (erf)  }
0x69: {  	[tilespmem:s12+$0xA050] =	vst v60  }
0x6a: {  	v0 =	vld.idx.msk [tilespmem:v0+s3+$0x0], $0xffff  }
0x6b: {  	v1 =	vld.idx.msk [tilespmem:v1+s3+$0x0], $0xffff;
	_ =	sdelay $0x4  }
0x6c: {  	v0 =	vadd.f32 v1, v0;
	_ =	sdelay $0x1  }
0x6d: {  	v0 =	vsub.f32 $0.0e+00, v0;
	_ =	sdelay $0x1  }
0x6e: {  	v0 =	vmul.f32 $1.442695020e+00, v0;
	_ =	sdelay $0x1  }
0x6f: {  	(erf) = vpow2.f32 v0;
	_ =	sdelay $0x8  }
0x70: {  	v0 =	vpop (erf)  }
0x71: {  	v0 =	vadd.f32 $1.000000000e+00, v0;
	_ =	sdelay $0x1  }
0x72: {  	v61 =	vld [tilespmem:s12+$0x5070];
	(erf) = vrcp.f32 v0  }
0x73: {  	v62 =	vld [tilespmem:s12+$0x50F0];
	_ =	sdelay $0x4  }
0x74: {  	v1 =	vshll.u32 v62, $0x1;
	v0 =	vshll.u32 v61, $0x1  }
0x75: {  	v1 =	vor.u32 $0x1, v1;
	_ =	sdelay $0x1  }
0x76: {  	v63 =	vpop (erf)  }
0x77: {  	[tilespmem:s12+$0xA060] =	vst v63  }
0x78: {  	v0 =	vld.idx.msk [tilespmem:v0+s3+$0x0], $0xffff  }
0x79: {  	v1 =	vld.idx.msk [tilespmem:v1+s3+$0x0], $0xffff;
	_ =	sdelay $0x4  }
0x7a: {  	v0 =	vadd.f32 v1, v0;
	_ =	sdelay $0x1  }
0x7b: {  	v0 =	vsub.f32 $0.0e+00, v0;
	_ =	sdelay $0x1  }
0x7c: {  	v0 =	vmul.f32 $1.442695020e+00, v0;
	_ =	sdelay $0x1  }
0x7d: {  	(erf) = vpow2.f32 v0;
	_ =	sdelay $0x8  }
0x7e: {  	v0 =	vpop (erf)  }
0x7f: {  	v0 =	vadd.f32 $1.000000000e+00, v0;
	_ =	sdelay $0x1  }
0x80: {  	(erf) = vrcp.f32 v0;
	_ =	sdelay $0x4  }
0x81: {  	p0 =	sne.s32 s11, $0x13C00  }
.Ltmp0:
0x82: {  	_ = 	snop;
	(pc) =	sbr.rel @p0 .LBB2_2-.Ltmp0, $3  }
0x83: {  	_ =	sdelay $0x1  }
0x84: {  	v0 =	vpop (erf)  }
0x85: {  	s11 =	sadd.s32 $0x400, s11;
	[tilespmem:s12+$0xA070] =	vst v0  }
0x86: {  	s10 =	sadd.s32 $0x1, s10  }
0x87: {  	p0 =	sne.s32 s10, s6  }
.Ltmp1:
0x88: {  	_ = 	snop;
	(pc) =	sbr.rel @p0 .LBB2_1-.Ltmp1, $4  }
0x89: {  	[hbm4b:s5+s3] =	stream.linear.scatter [tilespmem:s9], [sflag:$0x1], $0x5000, $0x38;
	[tilespmem:$0xF000] =	vst v63  }
0x8a: {  	_ =	swait.ge [sflag:s7], $0x5000  }
0x8b: {  	[sflag:s7] =	ssyncset.done $0x0  }
0x8c: {  	[sflag:s7] =	ssyncadd.s32 $0xFFFFB000  }
0x8d: {  	_ =	sfence.sel $0x180000  }
0x8e: {  	[bflag:$0x0] =	sbarrier.arrive $0xFFFF  }
0x8f: {  	p0 =	sne.s32 s0, $0x0;
	_ =	strace $0x90000050  }
0x90: {  	s0 =	sadd.s32 @!p0 $0x100000, s1;
	[bflag:$0x2] =	sbarrier.arrive $0xFFFF  }
0x91: {  	[sflag:s0] =	ssyncadd.tile.s32 @!p0 $0x1;
	_ =	shalt  }
.Lfunc_end2:
_tile_overlayer_lowered:
.L_overlay_start_2:
0x92: {  	(tag) =	ssettag $0x2  }
0x93: {  	s0 =	rddreg [dreg:$0x0];
	s2 =	stileid.u32  }
0x94: {  	s1 =	rddreg [dreg:$0x1];
	p0 =	sne.s32 s2, $0x0  }
0x95: {  	s3 =	rddreg [dreg:$0x2];
	[bflag:$0x3] =	sbarrier.arrive $0xFFFF;
	s2 =	simm.s32 @!p0 $0x1C01  }
0x96: {  	[timem:s3], [sflag:s2] =	dma.local @!p0 [hbm:s0], s1  }
0x97: {  	s0 =	simm.s32 @!p0 $0x1  }
0x98: {  	_ =	swait.ge @!p0 [sflag:s0], s1  }
0x99: {  	s1 =	ssub.s32 @!p0 $0x0, s1;
	[sflag:s0] =	ssyncset.done @!p0 $0x0  }
0x9a: {  	[sflag:s0] =	ssyncadd.s32 @!p0 s1  }
0x9b: {  	[bflag:$0x3] =	sbarrier.arrive $0xFFFF  }
0x9c: {  	_ =	shalt  }

// kernel: kernel.9.cloned.1.call-start
scs
__scs_entry_jumppad:
0x0: {  	(pc) =	sbr.rel $0x88, $3  }
0x1: {  	(tag) =	ssettag $0x0;
	lr =	simm.s32 $0x1  }
0x2: {  	[smem:$0x3F99] =	sst lr;
	_ =	strace $0xD0000000  }
0x3: {  	_ = 	snop  }
0x4: {  	_ = 	snop  }
0x5: {  	_ = 	snop  }
0x6: {  	_ = 	snop  }
0x7: {  	_ = 	snop  }
__scs_overlays_trampoline_lowered:
0x8: {  	[smem:$0x3FA8] =	sst s0  }
0x9: {  	[smem:$0x3FA9] =	sst s1  }
0xa: {  	[smem:$0x3FAA] =	sst s2  }
0xb: {  	[smem:$0x3FAB] =	sst s3  }
0xc: {  	[smem:$0x3FAC] =	sst s4  }
0xd: {  	[smem:$0x3FAD] =	sst s5  }
0xe: {  	[smem:$0x3FAE] =	sst s6  }
0xf: {  	[smem:$0x3FAF] =	sst s7  }
0x10: {  	[smem:$0x3FB0] =	sst s8  }
0x11: {  	[smem:$0x3FB1] =	sst s9;
	s0 =	simm.s32 @!p0 $0x0  }
0x12: {  	s1 =	sld [smem:$0x3F97];
	s0 =	simm.s32 @p0 $0x1  }
0x13: {  	[smem:$0x3FB2] =	sst s0;
	s0 =	simm.s32 @!p1 $0x0  }
0x14: {  	s2 =	sld [smem:$0x3F96];
	s0 =	simm.s32 @p1 $0x1  }
0x15: {  	[smem:$0x3FB3] =	sst s0;
	s0 =	simm.s32 @!p2 $0x0  }
0x16: {  	s3 =	sld [smem:$0x3FDB];
	s0 =	simm.s32 @p2 $0x1  }
0x17: {  	s4 =	simm.s32 $0x1BF5;
	[smem:$0x3FB5] =	sst s0  }
0x18: {  	s0 =	sld [smem:$0x3F98];
	_ =	swait.ge [sflag:s4], $0x0  }
0x19: {  	s7 =	sld [smem:$0x3F99]  }
0x1a: {  	s8 =	sadd.s32 $0xFFFFE003, lr  }
0x1b: {  	s9 =	sadd.s32 $0xFFFFFEF7, lr;
	s5 =	simm.s32 $0xFFFFFFFF;
	p2 =	slt.u32 s8, $0xFFFFF086  }
0x1c: {  	p1 =	slt.u32 s9, $0xF7A;
	s5 =	simm.s32 @!p2 $0x0  }
0x1d: {  	s5 =	simm.s32 @p1 $0x1;
	p0 =	seq.s32 s7, s2  }
0x1e: {  	s7 =	smul.u32 @!p0 $0xF7A, s2;
	p2 =	seq.s32 @!p0 s5, $0x0  }
0x1f: {  	s9 =	smul.u32 $0xF7A, s1;
	s8 =	simm.s32 @!p0 $0x1BF5;
	p2 =	por !p2, p0  }
0x20: {  	[sflag:s8] =	ssyncset.s32 @!p0 $0xFFFFF086;
	s6 =	sadd.s32 @!p0 s3, s7;
	s7 =	simm.s32 @!p0 $0x108  }
0x21: {  	s3 =	sadd.s32 s3, s9;
	s6 =	sadd.s32 @!p0 $0x88, s6;
	s7 =	simm.s32 @p2 $0x1082  }
0x22: {  	[simem:s7], [sflag:s8] =	dma.local @!p0 [hbm:s6], $0xF7A  }
0x23: {  	s9 =	sor.u32 $0xD0000000, s2;
	s6 =	simm.s32 $0x108;
	_ =	swait.ge @!p0 [sflag:s8], $0x0  }
0x24: {  	s3 =	sadd.s32 $0x88, s3;
	s6 =	simm.s32 @!p1 $0x1082;
	[sflag:s4] =	ssyncset.s32 $0xFFFFF086  }
0x25: {  	[simem:s6], [sflag:s4] =	dma.local [hbm:s3], $0xF7A  }
0x26: {  	[smem:$0x3F99] =	sst s1;
	(tag) =	ssettag s2;
	_ =	strace s9  }
0x27: {  	s1 =	sld [smem:$0x3FA9]  }
0x28: {  	s2 =	sld [smem:$0x3FAA]  }
0x29: {  	s4 =	sld [smem:$0x3FAC]  }
0x2a: {  	p0 =	seq.s32 s5, $0x0;
	s5 =	sld [smem:$0x3FAD]  }
0x2b: {  	s6 =	sld [smem:$0x3FAE]  }
0x2c: {  	s7 =	sld [smem:$0x3FAF]  }
0x2d: {  	s3 =	simm.s32 $0x108;
	s8 =	sld [smem:$0x3FB0]  }
0x2e: {  	s3 =	simm.s32 @!p0 $0x1082;
	s9 =	sld [smem:$0x3FB1]  }
0x2f: {  	lr =	sadd.s32 s0, s3;
	s0 =	sld [smem:$0x3FA8]  }
0x30: {  	s3 =	sld [smem:$0x3FAB]  }
0x31: {  	[smem:$0x3FB4] =	sst s10  }
0x32: {  	s10 =	sld [smem:$0x3FB2];
	_ =	sdelay $0x3  }
0x33: {  	p0 =	seq.s32 s10, $0x1;
	s10 =	sld [smem:$0x3FB4];
	_ =	sdelay $0x3  }
0x34: {  	[smem:$0x3FB4] =	sst s10  }
0x35: {  	s10 =	sld [smem:$0x3FB3];
	_ =	sdelay $0x3  }
0x36: {  	p1 =	seq.s32 s10, $0x1;
	s10 =	sld [smem:$0x3FB4];
	_ =	sdelay $0x3  }
0x37: {  	[smem:$0x3FB4] =	sst s10  }
0x38: {  	s10 =	sld [smem:$0x3FB5]  }
0x39: {  	_ = 	snop;
	(pc) =	sbr.ind lr, $3  }
0x3a: {  	_ = 	snop  }
0x3b: {  	_ = 	snop  }
0x3c: {  	p2 =	seq.s32 s10, $0x1;
	s10 =	sld [smem:$0x3FB4]  }
0x3d: {  	_ =	shalt  }
0x3e: {  	_ =	shalt  }
0x3f: {  	_ =	shalt  }
0x40: {  	_ =	shalt  }
0x41: {  	_ =	shalt  }
0x42: {  	_ =	shalt  }
0x43: {  	_ =	shalt  }
0x44: {  	_ =	shalt  }
0x45: {  	_ =	shalt  }
0x46: {  	_ =	shalt  }
0x47: {  	_ =	shalt  }
0x48: {  	_ =	shalt  }
0x49: {  	_ =	shalt  }
0x4a: {  	_ =	shalt  }
0x4b: {  	_ =	shalt  }
0x4c: {  	_ =	shalt  }
0x4d: {  	_ =	shalt  }
0x4e: {  	_ =	shalt  }
0x4f: {  	_ =	shalt  }
0x50: {  	_ =	shalt  }
0x51: {  	_ =	shalt  }
0x52: {  	_ =	shalt  }
0x53: {  	_ =	shalt  }
0x54: {  	_ =	shalt  }
0x55: {  	_ =	shalt  }
0x56: {  	_ =	shalt  }
0x57: {  	_ =	shalt  }
0x58: {  	_ =	shalt  }
0x59: {  	_ =	shalt  }
0x5a: {  	_ =	shalt  }
0x5b: {  	_ =	shalt  }
0x5c: {  	_ =	shalt  }
0x5d: {  	_ =	shalt  }
0x5e: {  	_ =	shalt  }
0x5f: {  	_ =	shalt  }
0x60: {  	_ =	shalt  }
0x61: {  	_ =	shalt  }
0x62: {  	_ =	shalt  }
0x63: {  	_ =	shalt  }
0x64: {  	_ =	shalt  }
0x65: {  	_ =	shalt  }
0x66: {  	_ =	shalt  }
0x67: {  	_ =	shalt  }
0x68: {  	_ =	shalt  }
0x69: {  	_ =	shalt  }
0x6a: {  	_ =	shalt  }
0x6b: {  	_ =	shalt  }
0x6c: {  	_ =	shalt  }
0x6d: {  	_ =	shalt  }
0x6e: {  	_ =	shalt  }
0x6f: {  	_ =	shalt  }
0x70: {  	_ =	shalt  }
0x71: {  	_ =	shalt  }
0x72: {  	_ =	shalt  }
0x73: {  	_ =	shalt  }
0x74: {  	_ =	shalt  }
0x75: {  	_ =	shalt  }
0x76: {  	_ =	shalt  }
0x77: {  	_ =	shalt  }
0x78: {  	_ =	shalt  }
0x79: {  	_ =	shalt  }
0x7a: {  	_ =	shalt  }
0x7b: {  	_ =	shalt  }
0x7c: {  	_ =	shalt  }
0x7d: {  	_ =	shalt  }
0x7e: {  	_ =	shalt  }
0x7f: {  	_ =	shalt  }
0x80: {  	_ =	shalt  }
0x81: {  	_ =	shalt  }
0x82: {  	_ =	shalt  }
0x83: {  	_ =	shalt  }
0x84: {  	_ =	shalt  }
0x85: {  	_ =	shalt  }
0x86: {  	_ =	shalt  }
0x87: {  	_ =	shalt  }
.Lfunc_end0:
.L_simem_size_0:
called_computation_lowered:
.L_overlay_start_0:
0x88: {  	s2 =	sld [smem:$0x3FD9]  }
0x89: {  	s3 =	sld [smem:$0x3FFE];
	_ =	sdelay $0x1  }
0x8a: {  	s1 =	srdreg.scid  }
0x8b: {  	s0 =	sand.u32 $0x1, s1  }
0x8c: {  	s17 =	sshll.u32 s0, $0xA;
	s2 =	sadd.s32 s3, s2  }
0x8d: {  	s2 =	sadd.s32 s2, s17  }
0x8e: {  	[smem:$0x3FC0] =	sst s2  }
0x8f: {  	_ = 	snop  }
0x90: {  	s2 =	sld [smem:$0x3FD0];
	(tm) =	ssettm $0x1  }
0x91: {  	s18 =	sld [smem:$0x3FFB];
	_ =	sdelay $0x3  }
0x92: {  	_ =	strace s18  }
0x93: {  	s3 =	sld [smem:$0x3FFC];
	_ =	sdelay $0x3  }
0x94: {  	_ =	strace s3  }
0x95: {  	s3 =	sld [smem:$0x3FFD];
	_ =	sdelay $0x3  }
0x96: {  	_ =	strace s3  }
0x97: {  	_ =	strace $0x8FFFFFFF  }
0x98: {  	s19 =	sld [smem:$0x3FDB];
	_ =	sdelay $0x1  }
0x99: {  	s4 =	simm.s32 $_scs_section_size  }
0x9a: {  	s5 =	simm.s32 $_size__tile_overlayer_lowered;
	s6 =	simm.s32 $_tile_overlayer_lowered  }
0x9b: {  	s22 =	simm.s32 $0x1BFF;
	s21 =	sshll.u32 s6, $0x1;
	s3 =	sadd.s32 s4, s19  }
0x9c: {  	s7 =	simm.s32 $0x0;
	s20 =	sshll.u32 s5, $0x1;
	s5 =	sadd.s32 s21, s3  }
0x9d: {  	[timem:s7], [sflag:s22] =	dma.local [hbm:s5], s20  }
0x9e: {  	_ =	swait.ge [sflag:s22], s20  }
0x9f: {  	s4 =	ssub.s32 $0x0, s20;
	[sflag:s22] =	ssyncset.done $0x0  }
0xa0: {  	[sflag:s22] =	ssyncadd.s32 s4;
	_ =	sdelay $0x1  }
0xa1: {  	s23 =	simm.s32 $0x1B8B  }
0xa2: {  	_ =	swait.ge [sflag:s23], $0x1  }
0xa3: {  	[sflag:s23] =	ssyncset.done $0x0  }
0xa4: {  	s25 =	simm.s32 $0x1B8E;
	s24 =	sld [smem:$0x3FFE];
	[sflag:s23] =	ssyncadd.s32 $0xFFFFFFFF  }
0xa5: {  	s26 =	simm.s32 $execute0_lowered;
	[smem:$0x3FD2] =	sst s25  }
0xa6: {  	s5 =	sshll.u32 s26, $0x1;
	_ =	strace $0x80000046;
	[dreg:$0x1] =	wrdreg $0xFFFFFFFF  }
0xa7: {  	s28 =	simm.s32 $_size_execute0_lowered;
	s3 =	sadd.s32 s3, s5;
	[dreg:$0x0] =	wrdreg $0x0  }
0xa8: {  	s5 =	sshll.u32 s28, $0x1;
	[dreg:$0x2] =	wrdreg s3  }
0xa9: {  	[dreg:$0x3] =	wrdreg s5  }
0xaa: {  	[dreg:$0x4] =	wrdreg $0xC0  }
0xab: {  	_ =	task [dreg:s7], $0x5FFFF  }
0xac: {  	[dreg:$0x1] =	wrdreg $0xFFFFFFFF  }
0xad: {  	[dreg:$0x0] =	wrdreg $0x60  }
0xae: {  	[dreg:$0x2] =	wrdreg s24  }
0xaf: {  	[dreg:$0x3] =	wrdreg s2  }
0xb0: {  	[dreg:$0x4] =	wrdreg $0x53000  }
0xb1: {  	[dreg:$0x5] =	wrdreg $0x9  }
0xb2: {  	_ =	task.clear_ibuf [dreg:s7], $0x6FFFF;
	_ =	strace $0x90000046  }
0xb3: {  	s29 =	simm.s32 $0x9;
	_ =	strace $0x80000048  }
0xb4: {  	_ =	swait.ge [sflag:s29], $0x1  }
0xb5: {  	[sflag:s29] =	ssyncadd.s32 $0xFFFFFFFF  }
0xb6: {  	_ =	strace $0x90000048  }
0xb7: {  	_ =	sfence  }
0xb8: {  	s30 =	sld [smem:$0x0];
	_ =	sdelay $0x2  }
0xb9: {  	s31 =	sshll.u32 s1, $0xD;
	s1 =	sshrl.u32 s1, $0x2  }
0xba: {  	s3 =	sand.u32 $0x4000, s31;
	s1 =	sadd.s32 s1, s30  }
0xbb: {  	s0 =	sor.u32 s3, s0;
	s1 =	sshll.u32 s1, $0x11  }
0xbc: {  	s0 =	sor.u32 s1, s0  }
0xbd: {  	s0 =	sadd.s32 $0x8F2B, s0  }
0xbe: {  	[sflag:s0] =	ssyncadd.remote.s32 $0x1  }
0xbf: {  	_ =	sfence.sel $0xFFFF  }
0xc0: {  	[dreg:$0x0] =	wrdreg $0xFFFFFFFF;
	(pc) =	sbr.abs _section_cstart, $3  }
0xc1: {  	[dreg:$0x1] =	wrdreg $0xFFFFFFFF  }
0xc2: {  	_ =	task.clear_ibuf [dreg:s7], $0x2FFFF;
	_ =	strace $0x9FFFFFFF  }
0xc3: {  	(tm) =	ssettm $0x7FFFFFFF  }
tec
execute0_lowered:
.L_overlay_start_1:
0x0: {  	(tag) =	ssettag $0x1  }
0x1: {  	s5 =	rddreg [dreg:$0x0]  }
0x2: {  	s0 =	srdreg.scid;
	s2 =	rddreg [dreg:$0x1]  }
0x3: {  	s3 =	rddreg [dreg:$0x2];
	s1 =	stileid.u32  }
0x4: {  	s4 =	simm.s32 $0x0;
	s11 =	simm.s32 $0x80;
	s12 =	simm.s32 $0x5000  }
0x5: {  	s16 =	simm.s32 $0x0;
	s8 =	sand.u32 $0x1, s0;
	s0 =	rddreg [dreg:$0x3]  }
0x6: {  	[smem:$0x7FF] =	sst s4;
	s10 =	smul.u32 $0xA00, s1;
	p0 =	seq.s32 s1, $0x0  }
0x7: {  	s6 =	sshll.u32 s8, $0x4;
	_ =	strace $0x80000047;
	s7 =	ssub.s32 $0x2, s8  }
0x8: {  	p1 =	seq.s32 s8, $0x1;
	s31 =	sor.u32 s8, s1;
	s6 =	sor.u32 s1, s6  }
0x9: {  	s9 =	sshrl.u32 s7, $0x1;
	s30 =	sshrl.u32 s10, $0x2;
	p0 =	por !p0, !p1  }
0xa: {  	p1 =	sne.s32 s31, $0x0;
	s10 =	simm.s32 $0x5080;
	s6 =	smul.u32 $0xA00, s6  }
0xb: {  	s9 =	ssub.s32 s7, s9;
	s7 =	sadd.s32 s30, s3;
	p0 =	por !p0, !p0  }
0xc: {  	s13 =	sshll.u32 @!p1 s1, $0x6;
	s14 =	sshrl.u32 @!p1 s3, $0x3;
	s8 =	smax.u32 s9, $0x1  }
0xd: {  	s9 =	simm.s32 $0x1;
	s13 =	sor.u32 @!p1 $0x1C01, s13;
	s6 =	sadd.s32 s6, s5  }
0xe: {  	v0 =	vimm.f32 $1.000000000e+00;
	v1 =	vimm.f32 $0.0e+00;
	s15 =	sshrl.u32 @p0 s3, $0x3;
	s5 =	sadd.s32 $0x18600, s5;
	s6 =	sadd.s32 $0x4600, s6  }
.LBB2_1:
0xf: {  	[tilespmem:s4], [sflag:$0x1] =	stream.linear.gather [hbm4b:s6+s4], $0x5000, $0x38;
	[tilespmem:$0x5580] =	vst v63  }
0x10: {  	_ =	swait.ge [sflag:s9], $0x5000  }
0x11: {  	[sflag:s9] =	ssyncset.done $0x0  }
0x12: {  	[sflag:s9] =	ssyncadd.s32 $0xFFFFB000  }
0x13: {  	[tilespmem:$0x5000] =	vst v0  }
0x14: {  	[tilespmem:$0x5010] =	vst v0  }
0x15: {  	[tilespmem:$0x5020] =	vst v0  }
0x16: {  	[tilespmem:$0x5030] =	vst v0  }
0x17: {  	[tilespmem:$0x5040] =	vst v0  }
0x18: {  	[tilespmem:$0x5050] =	vst v0  }
0x19: {  	[tilespmem:$0x5060] =	vst v0  }
0x1a: {  	[tilespmem:$0x5070] =	vst v0  }
0x1b: {  	[tilespmem:$0x5080] =	vst v1  }
0x1c: {  	[tilespmem:$0x5090] =	vst v1  }
0x1d: {  	[tilespmem:$0x50A0] =	vst v1  }
0x1e: {  	[tilespmem:$0x50B0] =	vst v1  }
0x1f: {  	[tilespmem:$0x50C0] =	vst v1  }
0x20: {  	[tilespmem:$0x50D0] =	vst v1  }
0x21: {  	[tilespmem:$0x50E0] =	vst v1  }
0x22: {  	[tilespmem:$0x50F0] =	vst v1  }
0x23: {  	[tilespmem:$0x5100] =	vst v1  }
0x24: {  	[tilespmem:$0x5110] =	vst v1  }
0x25: {  	[tilespmem:$0x5120] =	vst v1  }
0x26: {  	[tilespmem:$0x5130] =	vst v1  }
0x27: {  	[tilespmem:$0x5140] =	vst v1  }
0x28: {  	[tilespmem:$0x5150] =	vst v1  }
0x29: {  	[tilespmem:$0x5160] =	vst v1  }
0x2a: {  	[tilespmem:$0x5170] =	vst v1  }
0x2b: {  	[tilespmem:$0x5180] =	vst v1  }
0x2c: {  	[tilespmem:$0x5190] =	vst v1  }
0x2d: {  	[tilespmem:$0x51A0] =	vst v1  }
0x2e: {  	[tilespmem:$0x51B0] =	vst v1  }
0x2f: {  	[tilespmem:$0x51C0] =	vst v1  }
0x30: {  	[tilespmem:$0x51D0] =	vst v1  }
0x31: {  	[tilespmem:$0x51E0] =	vst v1  }
0x32: {  	[tilespmem:$0x51F0] =	vst v1  }
0x33: {  	[tilespmem:$0x5200] =	vst v1  }
0x34: {  	[tilespmem:$0x5210] =	vst v1  }
0x35: {  	[tilespmem:$0x5220] =	vst v1  }
0x36: {  	[tilespmem:$0x5230] =	vst v1  }
0x37: {  	[tilespmem:$0x5240] =	vst v1  }
0x38: {  	[tilespmem:$0x5250] =	vst v1  }
0x39: {  	[tilespmem:$0x5260] =	vst v1  }
0x3a: {  	[tilespmem:$0x5270] =	vst v1  }
0x3b: {  	[tilespmem:$0x5280] =	vst v1  }
0x3c: {  	[tilespmem:$0x5290] =	vst v1  }
0x3d: {  	[tilespmem:$0x52A0] =	vst v1  }
0x3e: {  	[tilespmem:$0x52B0] =	vst v1  }
0x3f: {  	[tilespmem:$0x52C0] =	vst v1  }
0x40: {  	[tilespmem:$0x52D0] =	vst v1  }
0x41: {  	[tilespmem:$0x52E0] =	vst v1  }
0x42: {  	[tilespmem:$0x52F0] =	vst v1  }
0x43: {  	[spmem:s7] =	stream.linear.scatter [tilespmem:s10], [sflag:$0x1], $0x280, $0x38;
	[tilespmem:$0x5580] =	vst v63  }
0x44: {  	_ =	swait.ge [sflag:s9], $0x280  }
0x45: {  	[sflag:s9] =	ssyncset.done $0x0  }
0x46: {  	[sflag:s9] =	ssyncadd.s32 $0xFFFFFD80  }
0x47: {  	s17 =	simm.s32 $0x80;
	[bflag:$0x0] =	sbarrier.arrive $0xFFFF  }
0x48: {  	[spmem:s3] =	stream.indirect.scatter.add.f32 [tilespmem:s12], [sflag:$0x1], $0x1, s17, s11, $0xb8;
	[tilespmem:$0x5580] =	vst v63  }
0x49: {  	_ =	swait.ge [sflag:s9], $0x80  }
0x4a: {  	s17 =	simm.s32 $0x600;
	[sflag:s9] =	ssyncset.done $0x0  }
.LBB2_2:
0x4b: {  	s18 =	sshra.s32 s17, $0x2;
	[sflag:s9] =	ssyncadd.s32 $0xFFFFFF80;
	p2 =	sne.s32 s17, $0x13E00  }
0x4c: {  	[spmem:s3] =	stream.indirect.scatter.add.f32 [tilespmem:s12], [sflag:$0x1], $0x1, s18, s11, $0xb8;
	[tilespmem:$0x5580] =	vst v63  }
.Ltmp0:
0x4d: {  	_ = 	snop;
	(pc) =	sbr.rel @p2 .LBB2_2-.Ltmp0, $4  }
0x4e: {  	_ = 	snop  }
0x4f: {  	s17 =	sadd.s32 $0x400, s17  }
0x50: {  	_ =	swait.ge [sflag:s9], $0x80  }
0x51: {  	[sflag:s9] =	ssyncset.done $0x0  }
0x52: {  	[sflag:s9] =	ssyncadd.s32 $0xFFFFFF80  }
0x53: {  	s17 =	simm.s32 @!p1 $0x1;
	[bflag:$0x0] =	sbarrier.arrive $0xFFFF  }
0x54: {  	[hbm:s2], [sflag:s13] =	dma.local @!p1 [spmem:s14], $0x500  }
0x55: {  	_ =	swait.ge @!p1 [sflag:s17], $0x500  }
0x56: {  	s16 =	sadd.s32 $0x1, s16;
	[sflag:s17] =	ssyncset.done @!p1 $0x0  }
0x57: {  	p2 =	sne.s32 s16, s8;
	[sflag:s17] =	ssyncadd.s32 @!p1 $0xFFFFFB00;
	s17 =	simm.s32 @p0 $0x1C01  }
0x58: {  	[hbm:s5], [sflag:s17] =	dma.local @p0 [spmem:s15], $0x500  }
.Ltmp1:
0x59: {  	_ = 	snop;
	(pc) =	sbr.rel @p2 .LBB2_1-.Ltmp1, $4  }
0x5a: {  	s17 =	simm.s32 @p0 $0x1  }
0x5b: {  	_ =	swait.ge @p0 [sflag:s17], $0x500  }
0x5c: {  	[sflag:s17] =	ssyncset.done @p0 $0x0  }
0x5d: {  	[sflag:s17] =	ssyncadd.s32 @p0 $0xFFFFFB00  }
0x5e: {  	_ =	sfence.sel $0x180000  }
0x5f: {  	[bflag:$0x0] =	sbarrier.arrive $0xFFFF  }
0x60: {  	p0 =	sne.s32 s1, $0x0;
	_ =	strace $0x90000047  }
0x61: {  	s0 =	sadd.s32 @!p0 $0x100000, s0;
	[bflag:$0x2] =	sbarrier.arrive $0xFFFF  }
0x62: {  	[sflag:s0] =	ssyncadd.tile.s32 @!p0 $0x1;
	_ =	shalt  }
.Lfunc_end2:
_tile_overlayer_lowered:
.L_overlay_start_2:
0x63: {  	(tag) =	ssettag $0x2  }
0x64: {  	s0 =	rddreg [dreg:$0x0];
	s2 =	stileid.u32  }
0x65: {  	s1 =	rddreg [dreg:$0x1];
	p0 =	sne.s32 s2, $0x0  }
0x66: {  	s3 =	rddreg [dreg:$0x2];
	[bflag:$0x3] =	sbarrier.arrive $0xFFFF;
	s2 =	simm.s32 @!p0 $0x1C01  }
0x67: {  	[timem:s3], [sflag:s2] =	dma.local @!p0 [hbm:s0], s1  }
0x68: {  	s0 =	simm.s32 @!p0 $0x1  }
0x69: {  	_ =	swait.ge @!p0 [sflag:s0], s1  }
0x6a: {  	s1 =	ssub.s32 @!p0 $0x0, s1;
	[sflag:s0] =	ssyncset.done @!p0 $0x0  }
0x6b: {  	[sflag:s0] =	ssyncadd.s32 @!p0 s1  }
0x6c: {  	[bflag:$0x3] =	sbarrier.arrive $0xFFFF  }
0x6d: {  	_ =	shalt  }

</sc_bundles>
